<compile_context>
chip_gen: v7x
topology: tpu7x:2x2x1
jax: 0.10.2.dev20260603
libtpu: 0.0.44.dev20260713+nightly
codegen_flags: <defaults>
</compile_context>

<pallas_src>
import functools

import jax
import jax.numpy as jnp
from jax import lax
from jax.experimental import pallas as pl
from jax.experimental.pallas import tpu as pltpu
from jax.experimental.pallas import tpu_sc as plsc

_NC = 2
_NS = 16


_CH = 125


def _sc_aggregate(xview, sd, zeros_tile):
    n2, d = xview.shape
    n = n2 // 2
    ch = _CH
    total_chunks = sd.shape[1]
    n_chunks = total_chunks // _NS
    rows_per_tile = n // _NS

    mesh = plsc.VectorSubcoreMesh(
        core_axis_name="c", subcore_axis_name="s", num_cores=_NC,
        num_subcores=_NS)

    nbuf = 5
    n_groups = n_chunks // nbuf

    @functools.partial(
        pl.kernel,
        out_type=jax.ShapeDtypeStruct((n, 2 * d), jnp.float32),
        mesh=mesh,
        scratch_types=[
            pltpu.VMEM((n_chunks, ch), jnp.int32),
            pltpu.VMEM((n_chunks, ch), jnp.int32),
        ] + [pltpu.VMEM((ch, d), jnp.float32) for _ in range(nbuf)] + [
            pltpu.VMEM_SHARED((n, d), jnp.float32),
        ] + [pltpu.SemaphoreType.DMA for _ in range(2 * nbuf)],
        compiler_params=pltpu.CompilerParams(use_tc_tiling_on_sc=False),
    )
    def k(x_hbm, sd_hbm, z_hbm, out_hbm, sidx, didx, *rest):
        rows = rest[:nbuf]
        acc = rest[nbuf]
        gsem = rest[nbuf + 1:nbuf + 1 + nbuf]
        ssem = rest[nbuf + 1 + nbuf:]
        c = lax.axis_index("c")
        s = lax.axis_index("s")

        zcp = pltpu.async_copy(
            z_hbm, acc.at[pl.ds(s * rows_per_tile, rows_per_tile)], gsem[0])
        pltpu.sync_copy(sd_hbm.at[0].at[pl.ds(s * n_chunks, n_chunks)], sidx)
        pltpu.sync_copy(sd_hbm.at[1].at[pl.ds(s * n_chunks, n_chunks)], didx)
        zcp.wait()
        plsc.subcore_barrier()
        xs = x_hbm.at[pl.ds(c, n2 - 1)]

        def gather(i, b):
            return pltpu.async_copy(xs.at[sidx.at[i]], rows[b], gsem[b])

        def gather_wait(i, b):
            pltpu.make_async_copy(xs.at[sidx.at[i]], rows[b],
                                  gsem[b]).wait()

        def scat(i, b):
            return pltpu.async_copy(rows[b], acc.at[didx.at[i]], ssem[b],
                                    add=True)

        def scat_wait(i, b):
            pltpu.make_async_copy(rows[b], acc.at[didx.at[i]], ssem[b]).wait()

        for b in range(nbuf):
            gather(b, b)

        def body(j, carry):
            i0 = nbuf * j
            for b in range(nbuf):
                gather_wait(i0 + b, b)
                scat(i0 + b, b)
            for b in range(nbuf):
                scat_wait(i0 + b, b)
                gather(i0 + nbuf + b, b)
            return carry

        lax.fori_loop(0, n_groups - 1, body, 0)
        ilast = nbuf * (n_groups - 1)
        for b in range(nbuf):
            gather_wait(ilast + b, b)
            scat(ilast + b, b)
        for b in range(nbuf):
            scat_wait(ilast + b, b)
        plsc.subcore_barrier()
        plsc.subcore_barrier()

        r0 = s * rows_per_tile
        pltpu.sync_copy(acc.at[pl.ds(r0, rows_per_tile)],
                        out_hbm.at[pl.ds(r0, rows_per_tile), pl.ds(c * d, d)])

    return k(xview, sd, zeros_tile)


def _layer_core(x_ref, p_ref, scale_ref, w1_ref, b1_ref, w2_ref, b2_ref,
                g_ref, be_ref):
    n = x_ref.shape[0]
    h0 = scale_ref[0, 0] * x_ref[...] + p_ref[...]
    a = jnp.maximum(
        jnp.dot(h0, w1_ref[...], preferred_element_type=jnp.float32)
        + b1_ref[...], 0.0)
    t = jnp.maximum(
        jnp.dot(a, w2_ref[...], preferred_element_type=jnp.float32)
        + b2_ref[...], 0.0)
    mean = jnp.sum(t, axis=0, keepdims=True) / n
    var = jnp.sum(t * t, axis=0, keepdims=True) / n - mean * mean
    inv = lax.rsqrt(var + 1e-5)
    h = g_ref[...] * (t - mean) * inv + be_ref[...]
    return jnp.maximum(h, 0.0)


def _layer_body(x_ref, p_ref, scale_ref, w1_ref, b1_ref, w2_ref, b2_ref,
                g_ref, be_ref, h_ref):
    h_ref[...] = _layer_core(x_ref, p_ref, scale_ref, w1_ref, b1_ref, w2_ref,
                             b2_ref, g_ref, be_ref)


def _layer_out_body(x_ref, p_ref, scale_ref, w1_ref, b1_ref, w2_ref, b2_ref,
                    g_ref, be_ref, wo_ref, bo_ref, o_ref):
    h = _layer_core(x_ref, p_ref, scale_ref, w1_ref, b1_ref, w2_ref, b2_ref,
                    g_ref, be_ref)
    o_ref[...] = (
        jnp.dot(h, wo_ref[...], preferred_element_type=jnp.float32)
        + bo_ref[...])


def _smem_spec():
    return pl.BlockSpec(memory_space=pltpu.SMEM)


def _layer(x, p, scale, w1, b1, w2, b2, g, be):
    n, d = x.shape
    return pl.pallas_call(
        _layer_body,
        in_specs=[pl.BlockSpec((n, d), lambda: (0, 0)),
                  pl.BlockSpec((n, d), lambda: (0, 0)),
                  _smem_spec()] + [pl.BlockSpec(b.shape, lambda: (0, 0))
                                   for b in (w1, b1, w2, b2, g, be)],
        out_specs=pl.BlockSpec((n, d), lambda: (0, 0)),
        out_shape=jax.ShapeDtypeStruct((n, d), jnp.float32),
    )(x, p, scale, w1, b1, w2, b2, g, be)


def _layer_out(x, p, scale, w1, b1, w2, b2, g, be, wo, bo):
    n, d = x.shape
    dout = wo.shape[1]
    return pl.pallas_call(
        _layer_out_body,
        in_specs=[pl.BlockSpec((n, d), lambda: (0, 0)),
                  pl.BlockSpec((n, d), lambda: (0, 0)),
                  _smem_spec()] + [pl.BlockSpec(b.shape, lambda: (0, 0))
                                   for b in (w1, b1, w2, b2, g, be, wo, bo)],
        out_specs=pl.BlockSpec((n, dout), lambda: (0, 0)),
        out_shape=jax.ShapeDtypeStruct((n, dout), jnp.float32),
    )(x, p, scale, w1, b1, w2, b2, g, be, wo, bo)


@jax.jit
def kernel(x, edge_index, eps1, W11, b11, W12, b12, g1, be1, eps2, W21, b21,
           W22, b22, g2, be2, Wo, bo):
    n, d = x.shape
    zeros_tile = jnp.zeros((n // _NS, d // 2), jnp.float32)
    sd = (edge_index * jnp.array([[2], [1]], jnp.int32)).reshape(2, -1, _CH)

    r2 = lambda v: v.reshape(1, -1)
    scale1 = (1.0 + eps1).reshape(1, 1)
    scale2 = (1.0 + eps2).reshape(1, 1)

    def agg(v):
        return _sc_aggregate(v.reshape(2 * n, d // 2), sd, zeros_tile)

    p1 = agg(x)
    h1 = _layer(x, p1, scale1, W11, r2(b11), W12, r2(b12), r2(g1), r2(be1))
    p2 = agg(h1)
    out = _layer_out(h1, p2, scale2, W21, r2(b21), W22, r2(b22), r2(g2),
                     r2(be2), Wo, r2(bo))
    return out

# --- scband reference (transcript-rebuilt; emitter-appended) ---
"""Pipeline reference for scband-gin-23218593202883 (READ-ONLY COPY).

The authoritative reference and input builder live on the scoring server;
editing this copy changes nothing except your own understanding.
"""

import jax, jax.numpy as jnp
import numpy as np

N_NODES = 10000
N_EDGES = 320000
D_IN = 128
D_HID = 128
D_OUT = 64


def setup_inputs(seed: int = 0) -> dict:
    key = jax.random.key(seed)
    ks = jax.random.split(key, 16)
    x = jax.random.normal(ks[0], (N_NODES, D_IN), dtype=jnp.float32)
    edge_index = jax.random.randint(ks[1], (2, N_EDGES), 0, N_NODES, dtype=jnp.int64 if jax.config.jax_enable_x64 else jnp.int32).astype(jnp.int32)
    s1 = 1.0 / np.sqrt(D_IN)
    s2 = 1.0 / np.sqrt(D_HID)
    inp = {
        'x': x,
        'edge_index': edge_index,
        'eps1': jnp.zeros((), dtype=jnp.float32),
        'W11': jax.random.uniform(ks[2], (D_IN, D_HID), jnp.float32, -s1, s1),
        'b11': jax.random.uniform(ks[3], (D_HID,), jnp.float32, -s1, s1),
        'W12': jax.random.uniform(ks[4], (D_HID, D_HID), jnp.float32, -s2, s2),
        'b12': jax.random.uniform(ks[5], (D_HID,), jnp.float32, -s2, s2),
        'g1': jnp.ones((D_HID,), jnp.float32),
        'be1': jnp.zeros((D_HID,), jnp.float32),
        'eps2': jnp.zeros((), dtype=jnp.float32),
        'W21': jax.random.uniform(ks[6], (D_HID, D_HID), jnp.float32, -s2, s2),
        'b21': jax.random.uniform(ks[7], (D_HID,), jnp.float32, -s2, s2),
        'W22': jax.random.uniform(ks[8], (D_HID, D_HID), jnp.float32, -s2, s2),
        'b22': jax.random.uniform(ks[9], (D_HID,), jnp.float32, -s2, s2),
        'g2': jnp.ones((D_HID,), jnp.float32),
        'be2': jnp.zeros((D_HID,), jnp.float32),
        'Wo': jax.random.uniform(ks[10], (D_HID, D_OUT), jnp.float32, -s2, s2),
        'bo': jax.random.uniform(ks[11], (D_OUT,), jnp.float32, -s2, s2),
    }
    return inp


def _batch_norm(h, gamma, beta, eps=1e-5):
    mean = jnp.mean(h, axis=0)
    var = jnp.var(h, axis=0)
    return gamma * (h - mean) / jnp.sqrt(var + eps) + beta


def _gin_conv(x, edge_index, eps, W1, b1, W2, b2, gamma, beta):
    src = edge_index[0]
    dst = edge_index[1]
    msg = jnp.take(x, src, axis=0)
    agg = jax.ops.segment_sum(msg, dst, num_segments=x.shape[0])
    h = (1.0 + eps) * x + agg
    h = jax.nn.relu(h @ W1 + b1)
    h = jax.nn.relu(h @ W2 + b2)
    h = _batch_norm(h, gamma, beta)
    return h


def reference(x, edge_index, eps1, W11, b11, W12, b12, g1, be1, eps2, W21, b21, W22, b22, g2, be2, Wo, bo):
    h = jax.nn.relu(_gin_conv(x, edge_index, eps1, W11, b11, W12, b12, g1, be1))
    h = jax.nn.relu(_gin_conv(h, edge_index, eps2, W21, b21, W22, b22, g2, be2))
    out = h @ Wo + bo
    return out

if __name__ == "__main__":
    import jax
    _d = setup_inputs()
    print(jax.jit(kernel)(*tuple(_d.values())))

</pallas_src>

<mosaic_0001>
#map = affine_map<(d0, d1) -> (0, 0)>
#map1 = affine_map<(d0, d1) -> (0, 0, 0)>
module attributes {stable_mosaic.version = 14 : i64} {
  func.func @k(%arg0: i32, %arg1: i32, %arg2: memref<20000x64xf32, #tpu.memory_space<hbm>>, %arg3: memref<2x2560x125xi32, #tpu.memory_space<hbm>>, %arg4: memref<625x64xf32, #tpu.memory_space<hbm>>, %arg5: memref<10000x128xf32, #tpu.memory_space<hbm>>, %arg6: memref<160x125xi32, #tpu.memory_space<vmem>>, %arg7: memref<160x125xi32, #tpu.memory_space<vmem>>, %arg8: memref<125x64xf32, #tpu.memory_space<vmem>>, %arg9: memref<125x64xf32, #tpu.memory_space<vmem>>, %arg10: memref<125x64xf32, #tpu.memory_space<vmem>>, %arg11: memref<125x64xf32, #tpu.memory_space<vmem>>, %arg12: memref<125x64xf32, #tpu.memory_space<vmem>>, %arg13: memref<10000x64xf32, #tpu.memory_space<vmem_shared>>, %arg14: memref<!tpu.dma_semaphore, #tpu.memory_space<semaphore_mem>>, %arg15: memref<!tpu.dma_semaphore, #tpu.memory_space<semaphore_mem>>, %arg16: memref<!tpu.dma_semaphore, #tpu.memory_space<semaphore_mem>>, %arg17: memref<!tpu.dma_semaphore, #tpu.memory_space<semaphore_mem>>, %arg18: memref<!tpu.dma_semaphore, #tpu.memory_space<semaphore_mem>>, %arg19: memref<!tpu.dma_semaphore, #tpu.memory_space<semaphore_mem>>, %arg20: memref<!tpu.dma_semaphore, #tpu.memory_space<semaphore_mem>>, %arg21: memref<!tpu.dma_semaphore, #tpu.memory_space<semaphore_mem>>, %arg22: memref<!tpu.dma_semaphore, #tpu.memory_space<semaphore_mem>>, %arg23: memref<!tpu.dma_semaphore, #tpu.memory_space<semaphore_mem>>) attributes {dimension_semantics = [#tpu.dimension_semantics<core_parallel>, #tpu.dimension_semantics<subcore_parallel>], iteration_bounds = array<i64: 2, 16>, scalar_prefetch = 0 : i64, scratch_operands = 18 : i64, tpu.core_type = #tpu.core_type<sc_vector_subcore>, window_params = [{transform_indices = #map}, {transform_indices = #map1}, {transform_indices = #map}, {transform_indices = #map}]} {
    %mul3A = arith.constant 625 : i32
    %mul3A_0 = arith.muli %arg1, %mul3A : i32
    %dma_start3A = arith.constant 0 : i32
    %dma_start3A_1 = tpu.memref_slice %arg13[%mul3A_0, %dma_start3A] : memref<10000x64xf32, #tpu.memory_space<vmem_shared>> -> memref<625x64xf32, #tpu.memory_space<vmem_shared>>
    tpu.enqueue_dma source(%arg4 : memref<625x64xf32, #tpu.memory_space<hbm>>) target(%dma_start3A_1 : memref<625x64xf32, #tpu.memory_space<vmem_shared>>) target_semaphore(%arg14 : memref<!tpu.dma_semaphore, #tpu.memory_space<semaphore_mem>>)
    %mul3A_2 = arith.constant 160 : i32
    %mul3A_3 = arith.muli %arg1, %mul3A_2 : i32
    %run_scoped3A = arith.constant 0 : i32
    "tpu.region"() ({
      %run_scoped3A_179 = tpu.sem_alloc : memref<!tpu.dma_semaphore, #tpu.memory_space<semaphore_mem>>
      %dma_start3A_180 = arith.constant 0 : i32
      %dma_start3A_181 = arith.constant 0 : i32
      %dma_start3A_182 = tpu.memref_slice %arg3[%run_scoped3A, %dma_start3A_180, %dma_start3A_181] : memref<2x2560x125xi32, #tpu.memory_space<hbm>> -> memref<1x2560x125xi32, #tpu.memory_space<hbm>>
      %dma_start3A_183 = tpu.memref_squeeze %dma_start3A_182 : memref<1x2560x125xi32, #tpu.memory_space<hbm>> -> memref<2560x125xi32, #tpu.memory_space<hbm>>
      %dma_start3A_184 = arith.constant 0 : i32
      %dma_start3A_185 = tpu.memref_slice %dma_start3A_183[%mul3A_3, %dma_start3A_184] : memref<2560x125xi32, #tpu.memory_space<hbm>> -> memref<160x125xi32, #tpu.memory_space<hbm>>
      %dma_start3A_186 = arith.constant 0 : i32
      %dma_start3A_187 = arith.constant 0 : i32
      %dma_start3A_188 = tpu.memref_slice %arg3[%run_scoped3A, %dma_start3A_186, %dma_start3A_187] : memref<2x2560x125xi32, #tpu.memory_space<hbm>> -> memref<1x2560x125xi32, #tpu.memory_space<hbm>>
      %dma_start3A_189 = tpu.memref_squeeze %dma_start3A_188 : memref<1x2560x125xi32, #tpu.memory_space<hbm>> -> memref<2560x125xi32, #tpu.memory_space<hbm>>
      %dma_start3A_190 = arith.constant 0 : i32
      %dma_start3A_191 = tpu.memref_slice %dma_start3A_189[%mul3A_3, %dma_start3A_190] : memref<2560x125xi32, #tpu.memory_space<hbm>> -> memref<160x125xi32, #tpu.memory_space<hbm>>
      tpu.enqueue_dma source(%dma_start3A_191 : memref<160x125xi32, #tpu.memory_space<hbm>>) target(%arg6 : memref<160x125xi32, #tpu.memory_space<vmem>>) target_semaphore(%run_scoped3A_179 : memref<!tpu.dma_semaphore, #tpu.memory_space<semaphore_mem>>)
      %dma_wait3A_192 = arith.constant 0 : i32
      %dma_wait3A_193 = arith.constant 0 : i32
      %dma_wait3A_194 = tpu.memref_slice %arg3[%run_scoped3A, %dma_wait3A_192, %dma_wait3A_193] : memref<2x2560x125xi32, #tpu.memory_space<hbm>> -> memref<1x2560x125xi32, #tpu.memory_space<hbm>>
      %dma_wait3A_195 = tpu.memref_squeeze %dma_wait3A_194 : memref<1x2560x125xi32, #tpu.memory_space<hbm>> -> memref<2560x125xi32, #tpu.memory_space<hbm>>
      %dma_wait3A_196 = arith.constant 0 : i32
      %dma_wait3A_197 = tpu.memref_slice %dma_wait3A_195[%mul3A_3, %dma_wait3A_196] : memref<2560x125xi32, #tpu.memory_space<hbm>> -> memref<160x125xi32, #tpu.memory_space<hbm>>
      %dma_wait3A_198 = arith.constant 0 : i32
      %dma_wait3A_199 = arith.constant 0 : i32
      %dma_wait3A_200 = tpu.memref_slice %arg3[%run_scoped3A, %dma_wait3A_198, %dma_wait3A_199] : memref<2x2560x125xi32, #tpu.memory_space<hbm>> -> memref<1x2560x125xi32, #tpu.memory_space<hbm>>
      %dma_wait3A_201 = tpu.memref_squeeze %dma_wait3A_200 : memref<1x2560x125xi32, #tpu.memory_space<hbm>> -> memref<2560x125xi32, #tpu.memory_space<hbm>>
      %dma_wait3A_202 = arith.constant 0 : i32
      %dma_wait3A_203 = tpu.memref_slice %dma_wait3A_201[%mul3A_3, %dma_wait3A_202] : memref<2560x125xi32, #tpu.memory_space<hbm>> -> memref<160x125xi32, #tpu.memory_space<hbm>>
      tpu.wait_dma2 semaphore(%run_scoped3A_179 : memref<!tpu.dma_semaphore, #tpu.memory_space<semaphore_mem>>) src(%dma_wait3A_203 : memref<160x125xi32, #tpu.memory_space<hbm>>) dst(%arg6 : memref<160x125xi32, #tpu.memory_space<vmem>>)
      tpu.yield
    }) : () -> ()
    %mul3A_4 = arith.constant 160 : i32
    %mul3A_5 = arith.muli %arg1, %mul3A_4 : i32
    %run_scoped3A_6 = arith.constant 1 : i32
    "tpu.region"() ({
      %run_scoped3A_179 = tpu.sem_alloc : memref<!tpu.dma_semaphore, #tpu.memory_space<semaphore_mem>>
      %dma_start3A_180 = arith.constant 0 : i32
      %dma_start3A_181 = arith.constant 0 : i32
      %dma_start3A_182 = tpu.memref_slice %arg3[%run_scoped3A_6, %dma_start3A_180, %dma_start3A_181] : memref<2x2560x125xi32, #tpu.memory_space<hbm>> -> memref<1x2560x125xi32, #tpu.memory_space<hbm>>
      %dma_start3A_183 = tpu.memref_squeeze %dma_start3A_182 : memref<1x2560x125xi32, #tpu.memory_space<hbm>> -> memref<2560x125xi32, #tpu.memory_space<hbm>>
      %dma_start3A_184 = arith.constant 0 : i32
      %dma_start3A_185 = tpu.memref_slice %dma_start3A_183[%mul3A_5, %dma_start3A_184] : memref<2560x125xi32, #tpu.memory_space<hbm>> -> memref<160x125xi32, #tpu.memory_space<hbm>>
      %dma_start3A_186 = arith.constant 0 : i32
      %dma_start3A_187 = arith.constant 0 : i32
      %dma_start3A_188 = tpu.memref_slice %arg3[%run_scoped3A_6, %dma_start3A_186, %dma_start3A_187] : memref<2x2560x125xi32, #tpu.memory_space<hbm>> -> memref<1x2560x125xi32, #tpu.memory_space<hbm>>
      %dma_start3A_189 = tpu.memref_squeeze %dma_start3A_188 : memref<1x2560x125xi32, #tpu.memory_space<hbm>> -> memref<2560x125xi32, #tpu.memory_space<hbm>>
      %dma_start3A_190 = arith.constant 0 : i32
      %dma_start3A_191 = tpu.memref_slice %dma_start3A_189[%mul3A_5, %dma_start3A_190] : memref<2560x125xi32, #tpu.memory_space<hbm>> -> memref<160x125xi32, #tpu.memory_space<hbm>>
      tpu.enqueue_dma source(%dma_start3A_191 : memref<160x125xi32, #tpu.memory_space<hbm>>) target(%arg7 : memref<160x125xi32, #tpu.memory_space<vmem>>) target_semaphore(%run_scoped3A_179 : memref<!tpu.dma_semaphore, #tpu.memory_space<semaphore_mem>>)
      %dma_wait3A_192 = arith.constant 0 : i32
      %dma_wait3A_193 = arith.constant 0 : i32
      %dma_wait3A_194 = tpu.memref_slice %arg3[%run_scoped3A_6, %dma_wait3A_192, %dma_wait3A_193] : memref<2x2560x125xi32, #tpu.memory_space<hbm>> -> memref<1x2560x125xi32, #tpu.memory_space<hbm>>
      %dma_wait3A_195 = tpu.memref_squeeze %dma_wait3A_194 : memref<1x2560x125xi32, #tpu.memory_space<hbm>> -> memref<2560x125xi32, #tpu.memory_space<hbm>>
      %dma_wait3A_196 = arith.constant 0 : i32
      %dma_wait3A_197 = tpu.memref_slice %dma_wait3A_195[%mul3A_5, %dma_wait3A_196] : memref<2560x125xi32, #tpu.memory_space<hbm>> -> memref<160x125xi32, #tpu.memory_space<hbm>>
      %dma_wait3A_198 = arith.constant 0 : i32
      %dma_wait3A_199 = arith.constant 0 : i32
      %dma_wait3A_200 = tpu.memref_slice %arg3[%run_scoped3A_6, %dma_wait3A_198, %dma_wait3A_199] : memref<2x2560x125xi32, #tpu.memory_space<hbm>> -> memref<1x2560x125xi32, #tpu.memory_space<hbm>>
      %dma_wait3A_201 = tpu.memref_squeeze %dma_wait3A_200 : memref<1x2560x125xi32, #tpu.memory_space<hbm>> -> memref<2560x125xi32, #tpu.memory_space<hbm>>
      %dma_wait3A_202 = arith.constant 0 : i32
      %dma_wait3A_203 = tpu.memref_slice %dma_wait3A_201[%mul3A_5, %dma_wait3A_202] : memref<2560x125xi32, #tpu.memory_space<hbm>> -> memref<160x125xi32, #tpu.memory_space<hbm>>
      tpu.wait_dma2 semaphore(%run_scoped3A_179 : memref<!tpu.dma_semaphore, #tpu.memory_space<semaphore_mem>>) src(%dma_wait3A_203 : memref<160x125xi32, #tpu.memory_space<hbm>>) dst(%arg7 : memref<160x125xi32, #tpu.memory_space<vmem>>)
      tpu.yield
    }) : () -> ()
    %dma_wait3A = arith.constant 0 : i32
    %dma_wait3A_7 = tpu.memref_slice %arg13[%mul3A_0, %dma_wait3A] : memref<10000x64xf32, #tpu.memory_space<vmem_shared>> -> memref<625x64xf32, #tpu.memory_space<vmem_shared>>
    tpu.wait_dma2 semaphore(%arg14 : memref<!tpu.dma_semaphore, #tpu.memory_space<semaphore_mem>>) src(%arg4 : memref<625x64xf32, #tpu.memory_space<hbm>>) dst(%dma_wait3A_7 : memref<625x64xf32, #tpu.memory_space<vmem_shared>>)
    %barrier3A = arith.constant 0 : index
    tpu.barrier barrier_id(%barrier3A)
    %dma_start3A_8 = arith.constant 0 : i32
    %dma_start3A_9 = arith.constant 0 : i32
    %dma_start3A_10 = tpu.memref_slice %arg6[%dma_start3A_8, %dma_start3A_9] : memref<160x125xi32, #tpu.memory_space<vmem>> -> memref<1x125xi32, #tpu.memory_space<vmem>>
    %dma_start3A_11 = tpu.memref_squeeze %dma_start3A_10 : memref<1x125xi32, #tpu.memory_space<vmem>> -> memref<125xi32, #tpu.memory_space<vmem>>
    %dma_start3A_12 = arith.constant 0 : i32
    %dma_start3A_13 = tpu.memref_slice %arg2[%arg0, %dma_start3A_12] : memref<20000x64xf32, #tpu.memory_space<hbm>> -> memref<19999x64xf32, #tpu.memory_space<hbm>>
    %dma_start3A_14 = arith.constant 0 : i32
    %dma_start3A_15 = arith.constant 0 : i32
    %dma_start3A_16 = tpu.memref_slice %dma_start3A_13[%dma_start3A_14, %dma_start3A_15] : memref<19999x64xf32, #tpu.memory_space<hbm>> -> memref<19999x64xf32, #tpu.memory_space<hbm>>
    tpu.enqueue_indirect_dma source(%dma_start3A_16 : memref<19999x64xf32, #tpu.memory_space<hbm>>) target(%arg8 : memref<125x64xf32, #tpu.memory_space<vmem>>) offsets(%dma_start3A_11 : memref<125xi32, #tpu.memory_space<vmem>>) semaphore(%arg14 : memref<!tpu.dma_semaphore, #tpu.memory_space<semaphore_mem>>)
    %dma_start3A_17 = arith.constant 1 : i32
    %dma_start3A_18 = arith.constant 0 : i32
    %dma_start3A_19 = tpu.memref_slice %arg6[%dma_start3A_17, %dma_start3A_18] : memref<160x125xi32, #tpu.memory_space<vmem>> -> memref<1x125xi32, #tpu.memory_space<vmem>>
    %dma_start3A_20 = tpu.memref_squeeze %dma_start3A_19 : memref<1x125xi32, #tpu.memory_space<vmem>> -> memref<125xi32, #tpu.memory_space<vmem>>
    %dma_start3A_21 = arith.constant 0 : i32
    %dma_start3A_22 = tpu.memref_slice %arg2[%arg0, %dma_start3A_21] : memref<20000x64xf32, #tpu.memory_space<hbm>> -> memref<19999x64xf32, #tpu.memory_space<hbm>>
    %dma_start3A_23 = arith.constant 0 : i32
    %dma_start3A_24 = arith.constant 0 : i32
    %dma_start3A_25 = tpu.memref_slice %dma_start3A_22[%dma_start3A_23, %dma_start3A_24] : memref<19999x64xf32, #tpu.memory_space<hbm>> -> memref<19999x64xf32, #tpu.memory_space<hbm>>
    tpu.enqueue_indirect_dma source(%dma_start3A_25 : memref<19999x64xf32, #tpu.memory_space<hbm>>) target(%arg9 : memref<125x64xf32, #tpu.memory_space<vmem>>) offsets(%dma_start3A_20 : memref<125xi32, #tpu.memory_space<vmem>>) semaphore(%arg15 : memref<!tpu.dma_semaphore, #tpu.memory_space<semaphore_mem>>)
    %dma_start3A_26 = arith.constant 2 : i32
    %dma_start3A_27 = arith.constant 0 : i32
    %dma_start3A_28 = tpu.memref_slice %arg6[%dma_start3A_26, %dma_start3A_27] : memref<160x125xi32, #tpu.memory_space<vmem>> -> memref<1x125xi32, #tpu.memory_space<vmem>>
    %dma_start3A_29 = tpu.memref_squeeze %dma_start3A_28 : memref<1x125xi32, #tpu.memory_space<vmem>> -> memref<125xi32, #tpu.memory_space<vmem>>
    %dma_start3A_30 = arith.constant 0 : i32
    %dma_start3A_31 = tpu.memref_slice %arg2[%arg0, %dma_start3A_30] : memref<20000x64xf32, #tpu.memory_space<hbm>> -> memref<19999x64xf32, #tpu.memory_space<hbm>>
    %dma_start3A_32 = arith.constant 0 : i32
    %dma_start3A_33 = arith.constant 0 : i32
    %dma_start3A_34 = tpu.memref_slice %dma_start3A_31[%dma_start3A_32, %dma_start3A_33] : memref<19999x64xf32, #tpu.memory_space<hbm>> -> memref<19999x64xf32, #tpu.memory_space<hbm>>
    tpu.enqueue_indirect_dma source(%dma_start3A_34 : memref<19999x64xf32, #tpu.memory_space<hbm>>) target(%arg10 : memref<125x64xf32, #tpu.memory_space<vmem>>) offsets(%dma_start3A_29 : memref<125xi32, #tpu.memory_space<vmem>>) semaphore(%arg16 : memref<!tpu.dma_semaphore, #tpu.memory_space<semaphore_mem>>)
    %dma_start3A_35 = arith.constant 3 : i32
    %dma_start3A_36 = arith.constant 0 : i32
    %dma_start3A_37 = tpu.memref_slice %arg6[%dma_start3A_35, %dma_start3A_36] : memref<160x125xi32, #tpu.memory_space<vmem>> -> memref<1x125xi32, #tpu.memory_space<vmem>>
    %dma_start3A_38 = tpu.memref_squeeze %dma_start3A_37 : memref<1x125xi32, #tpu.memory_space<vmem>> -> memref<125xi32, #tpu.memory_space<vmem>>
    %dma_start3A_39 = arith.constant 0 : i32
    %dma_start3A_40 = tpu.memref_slice %arg2[%arg0, %dma_start3A_39] : memref<20000x64xf32, #tpu.memory_space<hbm>> -> memref<19999x64xf32, #tpu.memory_space<hbm>>
    %dma_start3A_41 = arith.constant 0 : i32
    %dma_start3A_42 = arith.constant 0 : i32
    %dma_start3A_43 = tpu.memref_slice %dma_start3A_40[%dma_start3A_41, %dma_start3A_42] : memref<19999x64xf32, #tpu.memory_space<hbm>> -> memref<19999x64xf32, #tpu.memory_space<hbm>>
    tpu.enqueue_indirect_dma source(%dma_start3A_43 : memref<19999x64xf32, #tpu.memory_space<hbm>>) target(%arg11 : memref<125x64xf32, #tpu.memory_space<vmem>>) offsets(%dma_start3A_38 : memref<125xi32, #tpu.memory_space<vmem>>) semaphore(%arg17 : memref<!tpu.dma_semaphore, #tpu.memory_space<semaphore_mem>>)
    %dma_start3A_44 = arith.constant 4 : i32
    %dma_start3A_45 = arith.constant 0 : i32
    %dma_start3A_46 = tpu.memref_slice %arg6[%dma_start3A_44, %dma_start3A_45] : memref<160x125xi32, #tpu.memory_space<vmem>> -> memref<1x125xi32, #tpu.memory_space<vmem>>
    %dma_start3A_47 = tpu.memref_squeeze %dma_start3A_46 : memref<1x125xi32, #tpu.memory_space<vmem>> -> memref<125xi32, #tpu.memory_space<vmem>>
    %dma_start3A_48 = arith.constant 0 : i32
    %dma_start3A_49 = tpu.memref_slice %arg2[%arg0, %dma_start3A_48] : memref<20000x64xf32, #tpu.memory_space<hbm>> -> memref<19999x64xf32, #tpu.memory_space<hbm>>
    %dma_start3A_50 = arith.constant 0 : i32
    %dma_start3A_51 = arith.constant 0 : i32
    %dma_start3A_52 = tpu.memref_slice %dma_start3A_49[%dma_start3A_50, %dma_start3A_51] : memref<19999x64xf32, #tpu.memory_space<hbm>> -> memref<19999x64xf32, #tpu.memory_space<hbm>>
    tpu.enqueue_indirect_dma source(%dma_start3A_52 : memref<19999x64xf32, #tpu.memory_space<hbm>>) target(%arg12 : memref<125x64xf32, #tpu.memory_space<vmem>>) offsets(%dma_start3A_47 : memref<125xi32, #tpu.memory_space<vmem>>) semaphore(%arg18 : memref<!tpu.dma_semaphore, #tpu.memory_space<semaphore_mem>>)
    %scan3A = arith.constant 0 : i32
    %scan3A_53 = arith.constant 0 : i32
    %scan3A_54 = arith.constant 31 : i32
    %scan3A_55 = arith.addi %scan3A_53, %scan3A_54 : i32
    %scan3A_56 = arith.constant 1 : i32
    scf.for %scan3A_179 = %scan3A_53 to %scan3A_55 step %scan3A_56  : i32 {
      %mul3A_180 = arith.constant 5 : i32
      %mul3A_181 = arith.muli %mul3A_180, %scan3A_179 : i32
      %add3A = arith.constant 0 : i32
      %add3A_182 = arith.addi %mul3A_181, %add3A : i32
      %dma_wait3A_183 = arith.constant 0 : i32
      %dma_wait3A_184 = tpu.memref_slice %arg6[%add3A_182, %dma_wait3A_183] : memref<160x125xi32, #tpu.memory_space<vmem>> -> memref<1x125xi32, #tpu.memory_space<vmem>>
      %dma_wait3A_185 = tpu.memref_squeeze %dma_wait3A_184 : memref<1x125xi32, #tpu.memory_space<vmem>> -> memref<125xi32, #tpu.memory_space<vmem>>
      %dma_wait3A_186 = arith.constant 0 : i32
      %dma_wait3A_187 = tpu.memref_slice %arg2[%arg0, %dma_wait3A_186] : memref<20000x64xf32, #tpu.memory_space<hbm>> -> memref<19999x64xf32, #tpu.memory_space<hbm>>
      %dma_wait3A_188 = arith.constant 0 : i32
      %dma_wait3A_189 = arith.constant 0 : i32
      %dma_wait3A_190 = tpu.memref_slice %dma_wait3A_187[%dma_wait3A_188, %dma_wait3A_189] : memref<19999x64xf32, #tpu.memory_space<hbm>> -> memref<19999x64xf32, #tpu.memory_space<hbm>>
      tpu.wait_indirect_dma semaphore(%arg14 : memref<!tpu.dma_semaphore, #tpu.memory_space<semaphore_mem>>) src(%dma_wait3A_190 : memref<19999x64xf32, #tpu.memory_space<hbm>>) dst(%arg8 : memref<125x64xf32, #tpu.memory_space<vmem>>)
      %add3A_191 = arith.constant 0 : i32
      %add3A_192 = arith.addi %mul3A_181, %add3A_191 : i32
      %dma_start3A_193 = arith.constant 0 : i32
      %dma_start3A_194 = tpu.memref_slice %arg7[%add3A_192, %dma_start3A_193] : memref<160x125xi32, #tpu.memory_space<vmem>> -> memref<1x125xi32, #tpu.memory_space<vmem>>
      %dma_start3A_195 = tpu.memref_squeeze %dma_start3A_194 : memref<1x125xi32, #tpu.memory_space<vmem>> -> memref<125xi32, #tpu.memory_space<vmem>>
      %dma_start3A_196 = arith.constant 0 : i32
      %dma_start3A_197 = arith.constant 0 : i32
      %dma_start3A_198 = tpu.memref_slice %arg13[%dma_start3A_196, %dma_start3A_197] : memref<10000x64xf32, #tpu.memory_space<vmem_shared>> -> memref<10000x64xf32, #tpu.memory_space<vmem_shared>>
      tpu.enqueue_indirect_dma source(%arg8 : memref<125x64xf32, #tpu.memory_space<vmem>>) target(%dma_start3A_198 : memref<10000x64xf32, #tpu.memory_space<vmem_shared>>) offsets(%dma_start3A_195 : memref<125xi32, #tpu.memory_space<vmem>>) semaphore(%arg19 : memref<!tpu.dma_semaphore, #tpu.memory_space<semaphore_mem>>) {add = true}
      %add3A_199 = arith.constant 1 : i32
      %add3A_200 = arith.addi %mul3A_181, %add3A_199 : i32
      %dma_wait3A_201 = arith.constant 0 : i32
      %dma_wait3A_202 = tpu.memref_slice %arg6[%add3A_200, %dma_wait3A_201] : memref<160x125xi32, #tpu.memory_space<vmem>> -> memref<1x125xi32, #tpu.memory_space<vmem>>
      %dma_wait3A_203 = tpu.memref_squeeze %dma_wait3A_202 : memref<1x125xi32, #tpu.memory_space<vmem>> -> memref<125xi32, #tpu.memory_space<vmem>>
      %dma_wait3A_204 = arith.constant 0 : i32
      %dma_wait3A_205 = tpu.memref_slice %arg2[%arg0, %dma_wait3A_204] : memref<20000x64xf32, #tpu.memory_space<hbm>> -> memref<19999x64xf32, #tpu.memory_space<hbm>>
      %dma_wait3A_206 = arith.constant 0 : i32
      %dma_wait3A_207 = arith.constant 0 : i32
      %dma_wait3A_208 = tpu.memref_slice %dma_wait3A_205[%dma_wait3A_206, %dma_wait3A_207] : memref<19999x64xf32, #tpu.memory_space<hbm>> -> memref<19999x64xf32, #tpu.memory_space<hbm>>
      tpu.wait_indirect_dma semaphore(%arg15 : memref<!tpu.dma_semaphore, #tpu.memory_space<semaphore_mem>>) src(%dma_wait3A_208 : memref<19999x64xf32, #tpu.memory_space<hbm>>) dst(%arg9 : memref<125x64xf32, #tpu.memory_space<vmem>>)
      %add3A_209 = arith.constant 1 : i32
      %add3A_210 = arith.addi %mul3A_181, %add3A_209 : i32
      %dma_start3A_211 = arith.constant 0 : i32
      %dma_start3A_212 = tpu.memref_slice %arg7[%add3A_210, %dma_start3A_211] : memref<160x125xi32, #tpu.memory_space<vmem>> -> memref<1x125xi32, #tpu.memory_space<vmem>>
      %dma_start3A_213 = tpu.memref_squeeze %dma_start3A_212 : memref<1x125xi32, #tpu.memory_space<vmem>> -> memref<125xi32, #tpu.memory_space<vmem>>
      %dma_start3A_214 = arith.constant 0 : i32
      %dma_start3A_215 = arith.constant 0 : i32
      %dma_start3A_216 = tpu.memref_slice %arg13[%dma_start3A_214, %dma_start3A_215] : memref<10000x64xf32, #tpu.memory_space<vmem_shared>> -> memref<10000x64xf32, #tpu.memory_space<vmem_shared>>
      tpu.enqueue_indirect_dma source(%arg9 : memref<125x64xf32, #tpu.memory_space<vmem>>) target(%dma_start3A_216 : memref<10000x64xf32, #tpu.memory_space<vmem_shared>>) offsets(%dma_start3A_213 : memref<125xi32, #tpu.memory_space<vmem>>) semaphore(%arg20 : memref<!tpu.dma_semaphore, #tpu.memory_space<semaphore_mem>>) {add = true}
      %add3A_217 = arith.constant 2 : i32
      %add3A_218 = arith.addi %mul3A_181, %add3A_217 : i32
      %dma_wait3A_219 = arith.constant 0 : i32
      %dma_wait3A_220 = tpu.memref_slice %arg6[%add3A_218, %dma_wait3A_219] : memref<160x125xi32, #tpu.memory_space<vmem>> -> memref<1x125xi32, #tpu.memory_space<vmem>>
      %dma_wait3A_221 = tpu.memref_squeeze %dma_wait3A_220 : memref<1x125xi32, #tpu.memory_space<vmem>> -> memref<125xi32, #tpu.memory_space<vmem>>
      %dma_wait3A_222 = arith.constant 0 : i32
      %dma_wait3A_223 = tpu.memref_slice %arg2[%arg0, %dma_wait3A_222] : memref<20000x64xf32, #tpu.memory_space<hbm>> -> memref<19999x64xf32, #tpu.memory_space<hbm>>
      %dma_wait3A_224 = arith.constant 0 : i32
      %dma_wait3A_225 = arith.constant 0 : i32
      %dma_wait3A_226 = tpu.memref_slice %dma_wait3A_223[%dma_wait3A_224, %dma_wait3A_225] : memref<19999x64xf32, #tpu.memory_space<hbm>> -> memref<19999x64xf32, #tpu.memory_space<hbm>>
      tpu.wait_indirect_dma semaphore(%arg16 : memref<!tpu.dma_semaphore, #tpu.memory_space<semaphore_mem>>) src(%dma_wait3A_226 : memref<19999x64xf32, #tpu.memory_space<hbm>>) dst(%arg10 : memref<125x64xf32, #tpu.memory_space<vmem>>)
      %add3A_227 = arith.constant 2 : i32
      %add3A_228 = arith.addi %mul3A_181, %add3A_227 : i32
      %dma_start3A_229 = arith.constant 0 : i32
      %dma_start3A_230 = tpu.memref_slice %arg7[%add3A_228, %dma_start3A_229] : memref<160x125xi32, #tpu.memory_space<vmem>> -> memref<1x125xi32, #tpu.memory_space<vmem>>
      %dma_start3A_231 = tpu.memref_squeeze %dma_start3A_230 : memref<1x125xi32, #tpu.memory_space<vmem>> -> memref<125xi32, #tpu.memory_space<vmem>>
      %dma_start3A_232 = arith.constant 0 : i32
      %dma_start3A_233 = arith.constant 0 : i32
      %dma_start3A_234 = tpu.memref_slice %arg13[%dma_start3A_232, %dma_start3A_233] : memref<10000x64xf32, #tpu.memory_space<vmem_shared>> -> memref<10000x64xf32, #tpu.memory_space<vmem_shared>>
      tpu.enqueue_indirect_dma source(%arg10 : memref<125x64xf32, #tpu.memory_space<vmem>>) target(%dma_start3A_234 : memref<10000x64xf32, #tpu.memory_space<vmem_shared>>) offsets(%dma_start3A_231 : memref<125xi32, #tpu.memory_space<vmem>>) semaphore(%arg21 : memref<!tpu.dma_semaphore, #tpu.memory_space<semaphore_mem>>) {add = true}
      %add3A_235 = arith.constant 3 : i32
      %add3A_236 = arith.addi %mul3A_181, %add3A_235 : i32
      %dma_wait3A_237 = arith.constant 0 : i32
      %dma_wait3A_238 = tpu.memref_slice %arg6[%add3A_236, %dma_wait3A_237] : memref<160x125xi32, #tpu.memory_space<vmem>> -> memref<1x125xi32, #tpu.memory_space<vmem>>
      %dma_wait3A_239 = tpu.memref_squeeze %dma_wait3A_238 : memref<1x125xi32, #tpu.memory_space<vmem>> -> memref<125xi32, #tpu.memory_space<vmem>>
      %dma_wait3A_240 = arith.constant 0 : i32
      %dma_wait3A_241 = tpu.memref_slice %arg2[%arg0, %dma_wait3A_240] : memref<20000x64xf32, #tpu.memory_space<hbm>> -> memref<19999x64xf32, #tpu.memory_space<hbm>>
      %dma_wait3A_242 = arith.constant 0 : i32
      %dma_wait3A_243 = arith.constant 0 : i32
      %dma_wait3A_244 = tpu.memref_slice %dma_wait3A_241[%dma_wait3A_242, %dma_wait3A_243] : memref<19999x64xf32, #tpu.memory_space<hbm>> -> memref<19999x64xf32, #tpu.memory_space<hbm>>
      tpu.wait_indirect_dma semaphore(%arg17 : memref<!tpu.dma_semaphore, #tpu.memory_space<semaphore_mem>>) src(%dma_wait3A_244 : memref<19999x64xf32, #tpu.memory_space<hbm>>) dst(%arg11 : memref<125x64xf32, #tpu.memory_space<vmem>>)
      %add3A_245 = arith.constant 3 : i32
      %add3A_246 = arith.addi %mul3A_181, %add3A_245 : i32
      %dma_start3A_247 = arith.constant 0 : i32
      %dma_start3A_248 = tpu.memref_slice %arg7[%add3A_246, %dma_start3A_247] : memref<160x125xi32, #tpu.memory_space<vmem>> -> memref<1x125xi32, #tpu.memory_space<vmem>>
      %dma_start3A_249 = tpu.memref_squeeze %dma_start3A_248 : memref<1x125xi32, #tpu.memory_space<vmem>> -> memref<125xi32, #tpu.memory_space<vmem>>
      %dma_start3A_250 = arith.constant 0 : i32
      %dma_start3A_251 = arith.constant 0 : i32
      %dma_start3A_252 = tpu.memref_slice %arg13[%dma_start3A_250, %dma_start3A_251] : memref<10000x64xf32, #tpu.memory_space<vmem_shared>> -> memref<10000x64xf32, #tpu.memory_space<vmem_shared>>
      tpu.enqueue_indirect_dma source(%arg11 : memref<125x64xf32, #tpu.memory_space<vmem>>) target(%dma_start3A_252 : memref<10000x64xf32, #tpu.memory_space<vmem_shared>>) offsets(%dma_start3A_249 : memref<125xi32, #tpu.memory_space<vmem>>) semaphore(%arg22 : memref<!tpu.dma_semaphore, #tpu.memory_space<semaphore_mem>>) {add = true}
      %add3A_253 = arith.constant 4 : i32
      %add3A_254 = arith.addi %mul3A_181, %add3A_253 : i32
      %dma_wait3A_255 = arith.constant 0 : i32
      %dma_wait3A_256 = tpu.memref_slice %arg6[%add3A_254, %dma_wait3A_255] : memref<160x125xi32, #tpu.memory_space<vmem>> -> memref<1x125xi32, #tpu.memory_space<vmem>>
      %dma_wait3A_257 = tpu.memref_squeeze %dma_wait3A_256 : memref<1x125xi32, #tpu.memory_space<vmem>> -> memref<125xi32, #tpu.memory_space<vmem>>
      %dma_wait3A_258 = arith.constant 0 : i32
      %dma_wait3A_259 = tpu.memref_slice %arg2[%arg0, %dma_wait3A_258] : memref<20000x64xf32, #tpu.memory_space<hbm>> -> memref<19999x64xf32, #tpu.memory_space<hbm>>
      %dma_wait3A_260 = arith.constant 0 : i32
      %dma_wait3A_261 = arith.constant 0 : i32
      %dma_wait3A_262 = tpu.memref_slice %dma_wait3A_259[%dma_wait3A_260, %dma_wait3A_261] : memref<19999x64xf32, #tpu.memory_space<hbm>> -> memref<19999x64xf32, #tpu.memory_space<hbm>>
      tpu.wait_indirect_dma semaphore(%arg18 : memref<!tpu.dma_semaphore, #tpu.memory_space<semaphore_mem>>) src(%dma_wait3A_262 : memref<19999x64xf32, #tpu.memory_space<hbm>>) dst(%arg12 : memref<125x64xf32, #tpu.memory_space<vmem>>)
      %add3A_263 = arith.constant 4 : i32
      %add3A_264 = arith.addi %mul3A_181, %add3A_263 : i32
      %dma_start3A_265 = arith.constant 0 : i32
      %dma_start3A_266 = tpu.memref_slice %arg7[%add3A_264, %dma_start3A_265] : memref<160x125xi32, #tpu.memory_space<vmem>> -> memref<1x125xi32, #tpu.memory_space<vmem>>
      %dma_start3A_267 = tpu.memref_squeeze %dma_start3A_266 : memref<1x125xi32, #tpu.memory_space<vmem>> -> memref<125xi32, #tpu.memory_space<vmem>>
      %dma_start3A_268 = arith.constant 0 : i32
      %dma_start3A_269 = arith.constant 0 : i32
      %dma_start3A_270 = tpu.memref_slice %arg13[%dma_start3A_268, %dma_start3A_269] : memref<10000x64xf32, #tpu.memory_space<vmem_shared>> -> memref<10000x64xf32, #tpu.memory_space<vmem_shared>>
      tpu.enqueue_indirect_dma source(%arg12 : memref<125x64xf32, #tpu.memory_space<vmem>>) target(%dma_start3A_270 : memref<10000x64xf32, #tpu.memory_space<vmem_shared>>) offsets(%dma_start3A_267 : memref<125xi32, #tpu.memory_space<vmem>>) semaphore(%arg23 : memref<!tpu.dma_semaphore, #tpu.memory_space<semaphore_mem>>) {add = true}
      %add3A_271 = arith.constant 0 : i32
      %add3A_272 = arith.addi %mul3A_181, %add3A_271 : i32
      %dma_wait3A_273 = arith.constant 0 : i32
      %dma_wait3A_274 = tpu.memref_slice %arg7[%add3A_272, %dma_wait3A_273] : memref<160x125xi32, #tpu.memory_space<vmem>> -> memref<1x125xi32, #tpu.memory_space<vmem>>
      %dma_wait3A_275 = tpu.memref_squeeze %dma_wait3A_274 : memref<1x125xi32, #tpu.memory_space<vmem>> -> memref<125xi32, #tpu.memory_space<vmem>>
      %dma_wait3A_276 = arith.constant 0 : i32
      %dma_wait3A_277 = arith.constant 0 : i32
      %dma_wait3A_278 = tpu.memref_slice %arg13[%dma_wait3A_276, %dma_wait3A_277] : memref<10000x64xf32, #tpu.memory_space<vmem_shared>> -> memref<10000x64xf32, #tpu.memory_space<vmem_shared>>
      tpu.wait_indirect_dma semaphore(%arg19 : memref<!tpu.dma_semaphore, #tpu.memory_space<semaphore_mem>>) src(%arg8 : memref<125x64xf32, #tpu.memory_space<vmem>>) dst(%dma_wait3A_278 : memref<10000x64xf32, #tpu.memory_space<vmem_shared>>)
      %add3A_279 = arith.constant 5 : i32
      %add3A_280 = arith.addi %mul3A_181, %add3A_279 : i32
      %add3A_281 = arith.constant 0 : i32
      %add3A_282 = arith.addi %add3A_280, %add3A_281 : i32
      %dma_start3A_283 = arith.constant 0 : i32
      %dma_start3A_284 = tpu.memref_slice %arg6[%add3A_282, %dma_start3A_283] : memref<160x125xi32, #tpu.memory_space<vmem>> -> memref<1x125xi32, #tpu.memory_space<vmem>>
      %dma_start3A_285 = tpu.memref_squeeze %dma_start3A_284 : memref<1x125xi32, #tpu.memory_space<vmem>> -> memref<125xi32, #tpu.memory_space<vmem>>
      %dma_start3A_286 = arith.constant 0 : i32
      %dma_start3A_287 = tpu.memref_slice %arg2[%arg0, %dma_start3A_286] : memref<20000x64xf32, #tpu.memory_space<hbm>> -> memref<19999x64xf32, #tpu.memory_space<hbm>>
      %dma_start3A_288 = arith.constant 0 : i32
      %dma_start3A_289 = arith.constant 0 : i32
      %dma_start3A_290 = tpu.memref_slice %dma_start3A_287[%dma_start3A_288, %dma_start3A_289] : memref<19999x64xf32, #tpu.memory_space<hbm>> -> memref<19999x64xf32, #tpu.memory_space<hbm>>
      tpu.enqueue_indirect_dma source(%dma_start3A_290 : memref<19999x64xf32, #tpu.memory_space<hbm>>) target(%arg8 : memref<125x64xf32, #tpu.memory_space<vmem>>) offsets(%dma_start3A_285 : memref<125xi32, #tpu.memory_space<vmem>>) semaphore(%arg14 : memref<!tpu.dma_semaphore, #tpu.memory_space<semaphore_mem>>)
      %add3A_291 = arith.constant 1 : i32
      %add3A_292 = arith.addi %mul3A_181, %add3A_291 : i32
      %dma_wait3A_293 = arith.constant 0 : i32
      %dma_wait3A_294 = tpu.memref_slice %arg7[%add3A_292, %dma_wait3A_293] : memref<160x125xi32, #tpu.memory_space<vmem>> -> memref<1x125xi32, #tpu.memory_space<vmem>>
      %dma_wait3A_295 = tpu.memref_squeeze %dma_wait3A_294 : memref<1x125xi32, #tpu.memory_space<vmem>> -> memref<125xi32, #tpu.memory_space<vmem>>
      %dma_wait3A_296 = arith.constant 0 : i32
      %dma_wait3A_297 = arith.constant 0 : i32
      %dma_wait3A_298 = tpu.memref_slice %arg13[%dma_wait3A_296, %dma_wait3A_297] : memref<10000x64xf32, #tpu.memory_space<vmem_shared>> -> memref<10000x64xf32, #tpu.memory_space<vmem_shared>>
      tpu.wait_indirect_dma semaphore(%arg20 : memref<!tpu.dma_semaphore, #tpu.memory_space<semaphore_mem>>) src(%arg9 : memref<125x64xf32, #tpu.memory_space<vmem>>) dst(%dma_wait3A_298 : memref<10000x64xf32, #tpu.memory_space<vmem_shared>>)
      %add3A_299 = arith.constant 5 : i32
      %add3A_300 = arith.addi %mul3A_181, %add3A_299 : i32
      %add3A_301 = arith.constant 1 : i32
      %add3A_302 = arith.addi %add3A_300, %add3A_301 : i32
      %dma_start3A_303 = arith.constant 0 : i32
      %dma_start3A_304 = tpu.memref_slice %arg6[%add3A_302, %dma_start3A_303] : memref<160x125xi32, #tpu.memory_space<vmem>> -> memref<1x125xi32, #tpu.memory_space<vmem>>
      %dma_start3A_305 = tpu.memref_squeeze %dma_start3A_304 : memref<1x125xi32, #tpu.memory_space<vmem>> -> memref<125xi32, #tpu.memory_space<vmem>>
      %dma_start3A_306 = arith.constant 0 : i32
      %dma_start3A_307 = tpu.memref_slice %arg2[%arg0, %dma_start3A_306] : memref<20000x64xf32, #tpu.memory_space<hbm>> -> memref<19999x64xf32, #tpu.memory_space<hbm>>
      %dma_start3A_308 = arith.constant 0 : i32
      %dma_start3A_309 = arith.constant 0 : i32
      %dma_start3A_310 = tpu.memref_slice %dma_start3A_307[%dma_start3A_308, %dma_start3A_309] : memref<19999x64xf32, #tpu.memory_space<hbm>> -> memref<19999x64xf32, #tpu.memory_space<hbm>>
      tpu.enqueue_indirect_dma source(%dma_start3A_310 : memref<19999x64xf32, #tpu.memory_space<hbm>>) target(%arg9 : memref<125x64xf32, #tpu.memory_space<vmem>>) offsets(%dma_start3A_305 : memref<125xi32, #tpu.memory_space<vmem>>) semaphore(%arg15 : memref<!tpu.dma_semaphore, #tpu.memory_space<semaphore_mem>>)
      %add3A_311 = arith.constant 2 : i32
      %add3A_312 = arith.addi %mul3A_181, %add3A_311 : i32
      %dma_wait3A_313 = arith.constant 0 : i32
      %dma_wait3A_314 = tpu.memref_slice %arg7[%add3A_312, %dma_wait3A_313] : memref<160x125xi32, #tpu.memory_space<vmem>> -> memref<1x125xi32, #tpu.memory_space<vmem>>
      %dma_wait3A_315 = tpu.memref_squeeze %dma_wait3A_314 : memref<1x125xi32, #tpu.memory_space<vmem>> -> memref<125xi32, #tpu.memory_space<vmem>>
      %dma_wait3A_316 = arith.constant 0 : i32
      %dma_wait3A_317 = arith.constant 0 : i32
      %dma_wait3A_318 = tpu.memref_slice %arg13[%dma_wait3A_316, %dma_wait3A_317] : memref<10000x64xf32, #tpu.memory_space<vmem_shared>> -> memref<10000x64xf32, #tpu.memory_space<vmem_shared>>
      tpu.wait_indirect_dma semaphore(%arg21 : memref<!tpu.dma_semaphore, #tpu.memory_space<semaphore_mem>>) src(%arg10 : memref<125x64xf32, #tpu.memory_space<vmem>>) dst(%dma_wait3A_318 : memref<10000x64xf32, #tpu.memory_space<vmem_shared>>)
      %add3A_319 = arith.constant 5 : i32
      %add3A_320 = arith.addi %mul3A_181, %add3A_319 : i32
      %add3A_321 = arith.constant 2 : i32
      %add3A_322 = arith.addi %add3A_320, %add3A_321 : i32
      %dma_start3A_323 = arith.constant 0 : i32
      %dma_start3A_324 = tpu.memref_slice %arg6[%add3A_322, %dma_start3A_323] : memref<160x125xi32, #tpu.memory_space<vmem>> -> memref<1x125xi32, #tpu.memory_space<vmem>>
      %dma_start3A_325 = tpu.memref_squeeze %dma_start3A_324 : memref<1x125xi32, #tpu.memory_space<vmem>> -> memref<125xi32, #tpu.memory_space<vmem>>
      %dma_start3A_326 = arith.constant 0 : i32
      %dma_start3A_327 = tpu.memref_slice %arg2[%arg0, %dma_start3A_326] : memref<20000x64xf32, #tpu.memory_space<hbm>> -> memref<19999x64xf32, #tpu.memory_space<hbm>>
      %dma_start3A_328 = arith.constant 0 : i32
      %dma_start3A_329 = arith.constant 0 : i32
      %dma_start3A_330 = tpu.memref_slice %dma_start3A_327[%dma_start3A_328, %dma_start3A_329] : memref<19999x64xf32, #tpu.memory_space<hbm>> -> memref<19999x64xf32, #tpu.memory_space<hbm>>
      tpu.enqueue_indirect_dma source(%dma_start3A_330 : memref<19999x64xf32, #tpu.memory_space<hbm>>) target(%arg10 : memref<125x64xf32, #tpu.memory_space<vmem>>) offsets(%dma_start3A_325 : memref<125xi32, #tpu.memory_space<vmem>>) semaphore(%arg16 : memref<!tpu.dma_semaphore, #tpu.memory_space<semaphore_mem>>)
      %add3A_331 = arith.constant 3 : i32
      %add3A_332 = arith.addi %mul3A_181, %add3A_331 : i32
      %dma_wait3A_333 = arith.constant 0 : i32
      %dma_wait3A_334 = tpu.memref_slice %arg7[%add3A_332, %dma_wait3A_333] : memref<160x125xi32, #tpu.memory_space<vmem>> -> memref<1x125xi32, #tpu.memory_space<vmem>>
      %dma_wait3A_335 = tpu.memref_squeeze %dma_wait3A_334 : memref<1x125xi32, #tpu.memory_space<vmem>> -> memref<125xi32, #tpu.memory_space<vmem>>
      %dma_wait3A_336 = arith.constant 0 : i32
      %dma_wait3A_337 = arith.constant 0 : i32
      %dma_wait3A_338 = tpu.memref_slice %arg13[%dma_wait3A_336, %dma_wait3A_337] : memref<10000x64xf32, #tpu.memory_space<vmem_shared>> -> memref<10000x64xf32, #tpu.memory_space<vmem_shared>>
      tpu.wait_indirect_dma semaphore(%arg22 : memref<!tpu.dma_semaphore, #tpu.memory_space<semaphore_mem>>) src(%arg11 : memref<125x64xf32, #tpu.memory_space<vmem>>) dst(%dma_wait3A_338 : memref<10000x64xf32, #tpu.memory_space<vmem_shared>>)
      %add3A_339 = arith.constant 5 : i32
      %add3A_340 = arith.addi %mul3A_181, %add3A_339 : i32
      %add3A_341 = arith.constant 3 : i32
      %add3A_342 = arith.addi %add3A_340, %add3A_341 : i32
      %dma_start3A_343 = arith.constant 0 : i32
      %dma_start3A_344 = tpu.memref_slice %arg6[%add3A_342, %dma_start3A_343] : memref<160x125xi32, #tpu.memory_space<vmem>> -> memref<1x125xi32, #tpu.memory_space<vmem>>
      %dma_start3A_345 = tpu.memref_squeeze %dma_start3A_344 : memref<1x125xi32, #tpu.memory_space<vmem>> -> memref<125xi32, #tpu.memory_space<vmem>>
      %dma_start3A_346 = arith.constant 0 : i32
      %dma_start3A_347 = tpu.memref_slice %arg2[%arg0, %dma_start3A_346] : memref<20000x64xf32, #tpu.memory_space<hbm>> -> memref<19999x64xf32, #tpu.memory_space<hbm>>
      %dma_start3A_348 = arith.constant 0 : i32
      %dma_start3A_349 = arith.constant 0 : i32
      %dma_start3A_350 = tpu.memref_slice %dma_start3A_347[%dma_start3A_348, %dma_start3A_349] : memref<19999x64xf32, #tpu.memory_space<hbm>> -> memref<19999x64xf32, #tpu.memory_space<hbm>>
      tpu.enqueue_indirect_dma source(%dma_start3A_350 : memref<19999x64xf32, #tpu.memory_space<hbm>>) target(%arg11 : memref<125x64xf32, #tpu.memory_space<vmem>>) offsets(%dma_start3A_345 : memref<125xi32, #tpu.memory_space<vmem>>) semaphore(%arg17 : memref<!tpu.dma_semaphore, #tpu.memory_space<semaphore_mem>>)
      %add3A_351 = arith.constant 4 : i32
      %add3A_352 = arith.addi %mul3A_181, %add3A_351 : i32
      %dma_wait3A_353 = arith.constant 0 : i32
      %dma_wait3A_354 = tpu.memref_slice %arg7[%add3A_352, %dma_wait3A_353] : memref<160x125xi32, #tpu.memory_space<vmem>> -> memref<1x125xi32, #tpu.memory_space<vmem>>
      %dma_wait3A_355 = tpu.memref_squeeze %dma_wait3A_354 : memref<1x125xi32, #tpu.memory_space<vmem>> -> memref<125xi32, #tpu.memory_space<vmem>>
      %dma_wait3A_356 = arith.constant 0 : i32
      %dma_wait3A_357 = arith.constant 0 : i32
      %dma_wait3A_358 = tpu.memref_slice %arg13[%dma_wait3A_356, %dma_wait3A_357] : memref<10000x64xf32, #tpu.memory_space<vmem_shared>> -> memref<10000x64xf32, #tpu.memory_space<vmem_shared>>
      tpu.wait_indirect_dma semaphore(%arg23 : memref<!tpu.dma_semaphore, #tpu.memory_space<semaphore_mem>>) src(%arg12 : memref<125x64xf32, #tpu.memory_space<vmem>>) dst(%dma_wait3A_358 : memref<10000x64xf32, #tpu.memory_space<vmem_shared>>)
      %add3A_359 = arith.constant 5 : i32
      %add3A_360 = arith.addi %mul3A_181, %add3A_359 : i32
      %add3A_361 = arith.constant 4 : i32
      %add3A_362 = arith.addi %add3A_360, %add3A_361 : i32
      %dma_start3A_363 = arith.constant 0 : i32
      %dma_start3A_364 = tpu.memref_slice %arg6[%add3A_362, %dma_start3A_363] : memref<160x125xi32, #tpu.memory_space<vmem>> -> memref<1x125xi32, #tpu.memory_space<vmem>>
      %dma_start3A_365 = tpu.memref_squeeze %dma_start3A_364 : memref<1x125xi32, #tpu.memory_space<vmem>> -> memref<125xi32, #tpu.memory_space<vmem>>
      %dma_start3A_366 = arith.constant 0 : i32
      %dma_start3A_367 = tpu.memref_slice %arg2[%arg0, %dma_start3A_366] : memref<20000x64xf32, #tpu.memory_space<hbm>> -> memref<19999x64xf32, #tpu.memory_space<hbm>>
      %dma_start3A_368 = arith.constant 0 : i32
      %dma_start3A_369 = arith.constant 0 : i32
      %dma_start3A_370 = tpu.memref_slice %dma_start3A_367[%dma_start3A_368, %dma_start3A_369] : memref<19999x64xf32, #tpu.memory_space<hbm>> -> memref<19999x64xf32, #tpu.memory_space<hbm>>
      tpu.enqueue_indirect_dma source(%dma_start3A_370 : memref<19999x64xf32, #tpu.memory_space<hbm>>) target(%arg12 : memref<125x64xf32, #tpu.memory_space<vmem>>) offsets(%dma_start3A_365 : memref<125xi32, #tpu.memory_space<vmem>>) semaphore(%arg18 : memref<!tpu.dma_semaphore, #tpu.memory_space<semaphore_mem>>)
    }
    %scan3A_57 = arith.constant 31 : i32
    %dma_wait3A_58 = arith.constant 155 : i32
    %dma_wait3A_59 = arith.constant 0 : i32
    %dma_wait3A_60 = tpu.memref_slice %arg6[%dma_wait3A_58, %dma_wait3A_59] : memref<160x125xi32, #tpu.memory_space<vmem>> -> memref<1x125xi32, #tpu.memory_space<vmem>>
    %dma_wait3A_61 = tpu.memref_squeeze %dma_wait3A_60 : memref<1x125xi32, #tpu.memory_space<vmem>> -> memref<125xi32, #tpu.memory_space<vmem>>
    %dma_wait3A_62 = arith.constant 0 : i32
    %dma_wait3A_63 = tpu.memref_slice %arg2[%arg0, %dma_wait3A_62] : memref<20000x64xf32, #tpu.memory_space<hbm>> -> memref<19999x64xf32, #tpu.memory_space<hbm>>
    %dma_wait3A_64 = arith.constant 0 : i32
    %dma_wait3A_65 = arith.constant 0 : i32
    %dma_wait3A_66 = tpu.memref_slice %dma_wait3A_63[%dma_wait3A_64, %dma_wait3A_65] : memref<19999x64xf32, #tpu.memory_space<hbm>> -> memref<19999x64xf32, #tpu.memory_space<hbm>>
    tpu.wait_indirect_dma semaphore(%arg14 : memref<!tpu.dma_semaphore, #tpu.memory_space<semaphore_mem>>) src(%dma_wait3A_66 : memref<19999x64xf32, #tpu.memory_space<hbm>>) dst(%arg8 : memref<125x64xf32, #tpu.memory_space<vmem>>)
    %dma_start3A_67 = arith.constant 155 : i32
    %dma_start3A_68 = arith.constant 0 : i32
    %dma_start3A_69 = tpu.memref_slice %arg7[%dma_start3A_67, %dma_start3A_68] : memref<160x125xi32, #tpu.memory_space<vmem>> -> memref<1x125xi32, #tpu.memory_space<vmem>>
    %dma_start3A_70 = tpu.memref_squeeze %dma_start3A_69 : memref<1x125xi32, #tpu.memory_space<vmem>> -> memref<125xi32, #tpu.memory_space<vmem>>
    %dma_start3A_71 = arith.constant 0 : i32
    %dma_start3A_72 = arith.constant 0 : i32
    %dma_start3A_73 = tpu.memref_slice %arg13[%dma_start3A_71, %dma_start3A_72] : memref<10000x64xf32, #tpu.memory_space<vmem_shared>> -> memref<10000x64xf32, #tpu.memory_space<vmem_shared>>
    tpu.enqueue_indirect_dma source(%arg8 : memref<125x64xf32, #tpu.memory_space<vmem>>) target(%dma_start3A_73 : memref<10000x64xf32, #tpu.memory_space<vmem_shared>>) offsets(%dma_start3A_70 : memref<125xi32, #tpu.memory_space<vmem>>) semaphore(%arg19 : memref<!tpu.dma_semaphore, #tpu.memory_space<semaphore_mem>>) {add = true}
    %dma_wait3A_74 = arith.constant 156 : i32
    %dma_wait3A_75 = arith.constant 0 : i32
    %dma_wait3A_76 = tpu.memref_slice %arg6[%dma_wait3A_74, %dma_wait3A_75] : memref<160x125xi32, #tpu.memory_space<vmem>> -> memref<1x125xi32, #tpu.memory_space<vmem>>
    %dma_wait3A_77 = tpu.memref_squeeze %dma_wait3A_76 : memref<1x125xi32, #tpu.memory_space<vmem>> -> memref<125xi32, #tpu.memory_space<vmem>>
    %dma_wait3A_78 = arith.constant 0 : i32
    %dma_wait3A_79 = tpu.memref_slice %arg2[%arg0, %dma_wait3A_78] : memref<20000x64xf32, #tpu.memory_space<hbm>> -> memref<19999x64xf32, #tpu.memory_space<hbm>>
    %dma_wait3A_80 = arith.constant 0 : i32
    %dma_wait3A_81 = arith.constant 0 : i32
    %dma_wait3A_82 = tpu.memref_slice %dma_wait3A_79[%dma_wait3A_80, %dma_wait3A_81] : memref<19999x64xf32, #tpu.memory_space<hbm>> -> memref<19999x64xf32, #tpu.memory_space<hbm>>
    tpu.wait_indirect_dma semaphore(%arg15 : memref<!tpu.dma_semaphore, #tpu.memory_space<semaphore_mem>>) src(%dma_wait3A_82 : memref<19999x64xf32, #tpu.memory_space<hbm>>) dst(%arg9 : memref<125x64xf32, #tpu.memory_space<vmem>>)
    %dma_start3A_83 = arith.constant 156 : i32
    %dma_start3A_84 = arith.constant 0 : i32
    %dma_start3A_85 = tpu.memref_slice %arg7[%dma_start3A_83, %dma_start3A_84] : memref<160x125xi32, #tpu.memory_space<vmem>> -> memref<1x125xi32, #tpu.memory_space<vmem>>
    %dma_start3A_86 = tpu.memref_squeeze %dma_start3A_85 : memref<1x125xi32, #tpu.memory_space<vmem>> -> memref<125xi32, #tpu.memory_space<vmem>>
    %dma_start3A_87 = arith.constant 0 : i32
    %dma_start3A_88 = arith.constant 0 : i32
    %dma_start3A_89 = tpu.memref_slice %arg13[%dma_start3A_87, %dma_start3A_88] : memref<10000x64xf32, #tpu.memory_space<vmem_shared>> -> memref<10000x64xf32, #tpu.memory_space<vmem_shared>>
    tpu.enqueue_indirect_dma source(%arg9 : memref<125x64xf32, #tpu.memory_space<vmem>>) target(%dma_start3A_89 : memref<10000x64xf32, #tpu.memory_space<vmem_shared>>) offsets(%dma_start3A_86 : memref<125xi32, #tpu.memory_space<vmem>>) semaphore(%arg20 : memref<!tpu.dma_semaphore, #tpu.memory_space<semaphore_mem>>) {add = true}
    %dma_wait3A_90 = arith.constant 157 : i32
    %dma_wait3A_91 = arith.constant 0 : i32
    %dma_wait3A_92 = tpu.memref_slice %arg6[%dma_wait3A_90, %dma_wait3A_91] : memref<160x125xi32, #tpu.memory_space<vmem>> -> memref<1x125xi32, #tpu.memory_space<vmem>>
    %dma_wait3A_93 = tpu.memref_squeeze %dma_wait3A_92 : memref<1x125xi32, #tpu.memory_space<vmem>> -> memref<125xi32, #tpu.memory_space<vmem>>
    %dma_wait3A_94 = arith.constant 0 : i32
    %dma_wait3A_95 = tpu.memref_slice %arg2[%arg0, %dma_wait3A_94] : memref<20000x64xf32, #tpu.memory_space<hbm>> -> memref<19999x64xf32, #tpu.memory_space<hbm>>
    %dma_wait3A_96 = arith.constant 0 : i32
    %dma_wait3A_97 = arith.constant 0 : i32
    %dma_wait3A_98 = tpu.memref_slice %dma_wait3A_95[%dma_wait3A_96, %dma_wait3A_97] : memref<19999x64xf32, #tpu.memory_space<hbm>> -> memref<19999x64xf32, #tpu.memory_space<hbm>>
    tpu.wait_indirect_dma semaphore(%arg16 : memref<!tpu.dma_semaphore, #tpu.memory_space<semaphore_mem>>) src(%dma_wait3A_98 : memref<19999x64xf32, #tpu.memory_space<hbm>>) dst(%arg10 : memref<125x64xf32, #tpu.memory_space<vmem>>)
    %dma_start3A_99 = arith.constant 157 : i32
    %dma_start3A_100 = arith.constant 0 : i32
    %dma_start3A_101 = tpu.memref_slice %arg7[%dma_start3A_99, %dma_start3A_100] : memref<160x125xi32, #tpu.memory_space<vmem>> -> memref<1x125xi32, #tpu.memory_space<vmem>>
    %dma_start3A_102 = tpu.memref_squeeze %dma_start3A_101 : memref<1x125xi32, #tpu.memory_space<vmem>> -> memref<125xi32, #tpu.memory_space<vmem>>
    %dma_start3A_103 = arith.constant 0 : i32
    %dma_start3A_104 = arith.constant 0 : i32
    %dma_start3A_105 = tpu.memref_slice %arg13[%dma_start3A_103, %dma_start3A_104] : memref<10000x64xf32, #tpu.memory_space<vmem_shared>> -> memref<10000x64xf32, #tpu.memory_space<vmem_shared>>
    tpu.enqueue_indirect_dma source(%arg10 : memref<125x64xf32, #tpu.memory_space<vmem>>) target(%dma_start3A_105 : memref<10000x64xf32, #tpu.memory_space<vmem_shared>>) offsets(%dma_start3A_102 : memref<125xi32, #tpu.memory_space<vmem>>) semaphore(%arg21 : memref<!tpu.dma_semaphore, #tpu.memory_space<semaphore_mem>>) {add = true}
    %dma_wait3A_106 = arith.constant 158 : i32
    %dma_wait3A_107 = arith.constant 0 : i32
    %dma_wait3A_108 = tpu.memref_slice %arg6[%dma_wait3A_106, %dma_wait3A_107] : memref<160x125xi32, #tpu.memory_space<vmem>> -> memref<1x125xi32, #tpu.memory_space<vmem>>
    %dma_wait3A_109 = tpu.memref_squeeze %dma_wait3A_108 : memref<1x125xi32, #tpu.memory_space<vmem>> -> memref<125xi32, #tpu.memory_space<vmem>>
    %dma_wait3A_110 = arith.constant 0 : i32
    %dma_wait3A_111 = tpu.memref_slice %arg2[%arg0, %dma_wait3A_110] : memref<20000x64xf32, #tpu.memory_space<hbm>> -> memref<19999x64xf32, #tpu.memory_space<hbm>>
    %dma_wait3A_112 = arith.constant 0 : i32
    %dma_wait3A_113 = arith.constant 0 : i32
    %dma_wait3A_114 = tpu.memref_slice %dma_wait3A_111[%dma_wait3A_112, %dma_wait3A_113] : memref<19999x64xf32, #tpu.memory_space<hbm>> -> memref<19999x64xf32, #tpu.memory_space<hbm>>
    tpu.wait_indirect_dma semaphore(%arg17 : memref<!tpu.dma_semaphore, #tpu.memory_space<semaphore_mem>>) src(%dma_wait3A_114 : memref<19999x64xf32, #tpu.memory_space<hbm>>) dst(%arg11 : memref<125x64xf32, #tpu.memory_space<vmem>>)
    %dma_start3A_115 = arith.constant 158 : i32
    %dma_start3A_116 = arith.constant 0 : i32
    %dma_start3A_117 = tpu.memref_slice %arg7[%dma_start3A_115, %dma_start3A_116] : memref<160x125xi32, #tpu.memory_space<vmem>> -> memref<1x125xi32, #tpu.memory_space<vmem>>
    %dma_start3A_118 = tpu.memref_squeeze %dma_start3A_117 : memref<1x125xi32, #tpu.memory_space<vmem>> -> memref<125xi32, #tpu.memory_space<vmem>>
    %dma_start3A_119 = arith.constant 0 : i32
    %dma_start3A_120 = arith.constant 0 : i32
    %dma_start3A_121 = tpu.memref_slice %arg13[%dma_start3A_119, %dma_start3A_120] : memref<10000x64xf32, #tpu.memory_space<vmem_shared>> -> memref<10000x64xf32, #tpu.memory_space<vmem_shared>>
    tpu.enqueue_indirect_dma source(%arg11 : memref<125x64xf32, #tpu.memory_space<vmem>>) target(%dma_start3A_121 : memref<10000x64xf32, #tpu.memory_space<vmem_shared>>) offsets(%dma_start3A_118 : memref<125xi32, #tpu.memory_space<vmem>>) semaphore(%arg22 : memref<!tpu.dma_semaphore, #tpu.memory_space<semaphore_mem>>) {add = true}
    %dma_wait3A_122 = arith.constant 159 : i32
    %dma_wait3A_123 = arith.constant 0 : i32
    %dma_wait3A_124 = tpu.memref_slice %arg6[%dma_wait3A_122, %dma_wait3A_123] : memref<160x125xi32, #tpu.memory_space<vmem>> -> memref<1x125xi32, #tpu.memory_space<vmem>>
    %dma_wait3A_125 = tpu.memref_squeeze %dma_wait3A_124 : memref<1x125xi32, #tpu.memory_space<vmem>> -> memref<125xi32, #tpu.memory_space<vmem>>
    %dma_wait3A_126 = arith.constant 0 : i32
    %dma_wait3A_127 = tpu.memref_slice %arg2[%arg0, %dma_wait3A_126] : memref<20000x64xf32, #tpu.memory_space<hbm>> -> memref<19999x64xf32, #tpu.memory_space<hbm>>
    %dma_wait3A_128 = arith.constant 0 : i32
    %dma_wait3A_129 = arith.constant 0 : i32
    %dma_wait3A_130 = tpu.memref_slice %dma_wait3A_127[%dma_wait3A_128, %dma_wait3A_129] : memref<19999x64xf32, #tpu.memory_space<hbm>> -> memref<19999x64xf32, #tpu.memory_space<hbm>>
    tpu.wait_indirect_dma semaphore(%arg18 : memref<!tpu.dma_semaphore, #tpu.memory_space<semaphore_mem>>) src(%dma_wait3A_130 : memref<19999x64xf32, #tpu.memory_space<hbm>>) dst(%arg12 : memref<125x64xf32, #tpu.memory_space<vmem>>)
    %dma_start3A_131 = arith.constant 159 : i32
    %dma_start3A_132 = arith.constant 0 : i32
    %dma_start3A_133 = tpu.memref_slice %arg7[%dma_start3A_131, %dma_start3A_132] : memref<160x125xi32, #tpu.memory_space<vmem>> -> memref<1x125xi32, #tpu.memory_space<vmem>>
    %dma_start3A_134 = tpu.memref_squeeze %dma_start3A_133 : memref<1x125xi32, #tpu.memory_space<vmem>> -> memref<125xi32, #tpu.memory_space<vmem>>
    %dma_start3A_135 = arith.constant 0 : i32
    %dma_start3A_136 = arith.constant 0 : i32
    %dma_start3A_137 = tpu.memref_slice %arg13[%dma_start3A_135, %dma_start3A_136] : memref<10000x64xf32, #tpu.memory_space<vmem_shared>> -> memref<10000x64xf32, #tpu.memory_space<vmem_shared>>
    tpu.enqueue_indirect_dma source(%arg12 : memref<125x64xf32, #tpu.memory_space<vmem>>) target(%dma_start3A_137 : memref<10000x64xf32, #tpu.memory_space<vmem_shared>>) offsets(%dma_start3A_134 : memref<125xi32, #tpu.memory_space<vmem>>) semaphore(%arg23 : memref<!tpu.dma_semaphore, #tpu.memory_space<semaphore_mem>>) {add = true}
    %dma_wait3A_138 = arith.constant 155 : i32
    %dma_wait3A_139 = arith.constant 0 : i32
    %dma_wait3A_140 = tpu.memref_slice %arg7[%dma_wait3A_138, %dma_wait3A_139] : memref<160x125xi32, #tpu.memory_space<vmem>> -> memref<1x125xi32, #tpu.memory_space<vmem>>
    %dma_wait3A_141 = tpu.memref_squeeze %dma_wait3A_140 : memref<1x125xi32, #tpu.memory_space<vmem>> -> memref<125xi32, #tpu.memory_space<vmem>>
    %dma_wait3A_142 = arith.constant 0 : i32
    %dma_wait3A_143 = arith.constant 0 : i32
    %dma_wait3A_144 = tpu.memref_slice %arg13[%dma_wait3A_142, %dma_wait3A_143] : memref<10000x64xf32, #tpu.memory_space<vmem_shared>> -> memref<10000x64xf32, #tpu.memory_space<vmem_shared>>
    tpu.wait_indirect_dma semaphore(%arg19 : memref<!tpu.dma_semaphore, #tpu.memory_space<semaphore_mem>>) src(%arg8 : memref<125x64xf32, #tpu.memory_space<vmem>>) dst(%dma_wait3A_144 : memref<10000x64xf32, #tpu.memory_space<vmem_shared>>)
    %dma_wait3A_145 = arith.constant 156 : i32
    %dma_wait3A_146 = arith.constant 0 : i32
    %dma_wait3A_147 = tpu.memref_slice %arg7[%dma_wait3A_145, %dma_wait3A_146] : memref<160x125xi32, #tpu.memory_space<vmem>> -> memref<1x125xi32, #tpu.memory_space<vmem>>
    %dma_wait3A_148 = tpu.memref_squeeze %dma_wait3A_147 : memref<1x125xi32, #tpu.memory_space<vmem>> -> memref<125xi32, #tpu.memory_space<vmem>>
    %dma_wait3A_149 = arith.constant 0 : i32
    %dma_wait3A_150 = arith.constant 0 : i32
    %dma_wait3A_151 = tpu.memref_slice %arg13[%dma_wait3A_149, %dma_wait3A_150] : memref<10000x64xf32, #tpu.memory_space<vmem_shared>> -> memref<10000x64xf32, #tpu.memory_space<vmem_shared>>
    tpu.wait_indirect_dma semaphore(%arg20 : memref<!tpu.dma_semaphore, #tpu.memory_space<semaphore_mem>>) src(%arg9 : memref<125x64xf32, #tpu.memory_space<vmem>>) dst(%dma_wait3A_151 : memref<10000x64xf32, #tpu.memory_space<vmem_shared>>)
    %dma_wait3A_152 = arith.constant 157 : i32
    %dma_wait3A_153 = arith.constant 0 : i32
    %dma_wait3A_154 = tpu.memref_slice %arg7[%dma_wait3A_152, %dma_wait3A_153] : memref<160x125xi32, #tpu.memory_space<vmem>> -> memref<1x125xi32, #tpu.memory_space<vmem>>
    %dma_wait3A_155 = tpu.memref_squeeze %dma_wait3A_154 : memref<1x125xi32, #tpu.memory_space<vmem>> -> memref<125xi32, #tpu.memory_space<vmem>>
    %dma_wait3A_156 = arith.constant 0 : i32
    %dma_wait3A_157 = arith.constant 0 : i32
    %dma_wait3A_158 = tpu.memref_slice %arg13[%dma_wait3A_156, %dma_wait3A_157] : memref<10000x64xf32, #tpu.memory_space<vmem_shared>> -> memref<10000x64xf32, #tpu.memory_space<vmem_shared>>
    tpu.wait_indirect_dma semaphore(%arg21 : memref<!tpu.dma_semaphore, #tpu.memory_space<semaphore_mem>>) src(%arg10 : memref<125x64xf32, #tpu.memory_space<vmem>>) dst(%dma_wait3A_158 : memref<10000x64xf32, #tpu.memory_space<vmem_shared>>)
    %dma_wait3A_159 = arith.constant 158 : i32
    %dma_wait3A_160 = arith.constant 0 : i32
    %dma_wait3A_161 = tpu.memref_slice %arg7[%dma_wait3A_159, %dma_wait3A_160] : memref<160x125xi32, #tpu.memory_space<vmem>> -> memref<1x125xi32, #tpu.memory_space<vmem>>
    %dma_wait3A_162 = tpu.memref_squeeze %dma_wait3A_161 : memref<1x125xi32, #tpu.memory_space<vmem>> -> memref<125xi32, #tpu.memory_space<vmem>>
    %dma_wait3A_163 = arith.constant 0 : i32
    %dma_wait3A_164 = arith.constant 0 : i32
    %dma_wait3A_165 = tpu.memref_slice %arg13[%dma_wait3A_163, %dma_wait3A_164] : memref<10000x64xf32, #tpu.memory_space<vmem_shared>> -> memref<10000x64xf32, #tpu.memory_space<vmem_shared>>
    tpu.wait_indirect_dma semaphore(%arg22 : memref<!tpu.dma_semaphore, #tpu.memory_space<semaphore_mem>>) src(%arg11 : memref<125x64xf32, #tpu.memory_space<vmem>>) dst(%dma_wait3A_165 : memref<10000x64xf32, #tpu.memory_space<vmem_shared>>)
    %dma_wait3A_166 = arith.constant 159 : i32
    %dma_wait3A_167 = arith.constant 0 : i32
    %dma_wait3A_168 = tpu.memref_slice %arg7[%dma_wait3A_166, %dma_wait3A_167] : memref<160x125xi32, #tpu.memory_space<vmem>> -> memref<1x125xi32, #tpu.memory_space<vmem>>
    %dma_wait3A_169 = tpu.memref_squeeze %dma_wait3A_168 : memref<1x125xi32, #tpu.memory_space<vmem>> -> memref<125xi32, #tpu.memory_space<vmem>>
    %dma_wait3A_170 = arith.constant 0 : i32
    %dma_wait3A_171 = arith.constant 0 : i32
    %dma_wait3A_172 = tpu.memref_slice %arg13[%dma_wait3A_170, %dma_wait3A_171] : memref<10000x64xf32, #tpu.memory_space<vmem_shared>> -> memref<10000x64xf32, #tpu.memory_space<vmem_shared>>
    tpu.wait_indirect_dma semaphore(%arg23 : memref<!tpu.dma_semaphore, #tpu.memory_space<semaphore_mem>>) src(%arg12 : memref<125x64xf32, #tpu.memory_space<vmem>>) dst(%dma_wait3A_172 : memref<10000x64xf32, #tpu.memory_space<vmem_shared>>)
    %barrier3A_173 = arith.constant 0 : index
    tpu.barrier barrier_id(%barrier3A_173)
    %barrier3A_174 = arith.constant 0 : index
    tpu.barrier barrier_id(%barrier3A_174)
    %mul3A_175 = arith.constant 625 : i32
    %mul3A_176 = arith.muli %arg1, %mul3A_175 : i32
    %mul3A_177 = arith.constant 64 : i32
    %mul3A_178 = arith.muli %arg0, %mul3A_177 : i32
    "tpu.region"() ({
      %run_scoped3A_179 = tpu.sem_alloc : memref<!tpu.dma_semaphore, #tpu.memory_space<semaphore_mem>>
      %dma_start3A_180 = tpu.memref_slice %arg5[%mul3A_176, %mul3A_178] : memref<10000x128xf32, #tpu.memory_space<hbm>> -> memref<625x64xf32, #tpu.memory_space<hbm>>
      %dma_start3A_181 = arith.constant 0 : i32
      %dma_start3A_182 = tpu.memref_slice %arg13[%mul3A_176, %dma_start3A_181] : memref<10000x64xf32, #tpu.memory_space<vmem_shared>> -> memref<625x64xf32, #tpu.memory_space<vmem_shared>>
      tpu.enqueue_dma source(%dma_start3A_182 : memref<625x64xf32, #tpu.memory_space<vmem_shared>>) target(%dma_start3A_180 : memref<625x64xf32, #tpu.memory_space<hbm>>) target_semaphore(%run_scoped3A_179 : memref<!tpu.dma_semaphore, #tpu.memory_space<semaphore_mem>>)
      %dma_wait3A_183 = tpu.memref_slice %arg5[%mul3A_176, %mul3A_178] : memref<10000x128xf32, #tpu.memory_space<hbm>> -> memref<625x64xf32, #tpu.memory_space<hbm>>
      %dma_wait3A_184 = arith.constant 0 : i32
      %dma_wait3A_185 = tpu.memref_slice %arg13[%mul3A_176, %dma_wait3A_184] : memref<10000x64xf32, #tpu.memory_space<vmem_shared>> -> memref<625x64xf32, #tpu.memory_space<vmem_shared>>
      tpu.wait_dma2 semaphore(%run_scoped3A_179 : memref<!tpu.dma_semaphore, #tpu.memory_space<semaphore_mem>>) src(%dma_wait3A_185 : memref<625x64xf32, #tpu.memory_space<vmem_shared>>) dst(%dma_wait3A_183 : memref<625x64xf32, #tpu.memory_space<hbm>>)
      tpu.yield
    }) : () -> ()
    return
  }
}

#map = affine_map<(d0, d1) -> (0, 0)>
#map1 = affine_map<(d0, d1) -> (0, 0, 0)>
module attributes {stable_mosaic.version = 14 : i64} {
  func.func @k(%arg0: i32, %arg1: i32, %arg2: memref<20000x64xf32, #tpu.memory_space<hbm>>, %arg3: memref<2x2560x125xi32, #tpu.memory_space<hbm>>, %arg4: memref<625x64xf32, #tpu.memory_space<hbm>>, %arg5: memref<10000x128xf32, #tpu.memory_space<hbm>>, %arg6: memref<160x125xi32, #tpu.memory_space<vmem>>, %arg7: memref<160x125xi32, #tpu.memory_space<vmem>>, %arg8: memref<125x64xf32, #tpu.memory_space<vmem>>, %arg9: memref<125x64xf32, #tpu.memory_space<vmem>>, %arg10: memref<125x64xf32, #tpu.memory_space<vmem>>, %arg11: memref<125x64xf32, #tpu.memory_space<vmem>>, %arg12: memref<125x64xf32, #tpu.memory_space<vmem>>, %arg13: memref<10000x64xf32, #tpu.memory_space<vmem_shared>>, %arg14: memref<!tpu.dma_semaphore, #tpu.memory_space<semaphore_mem>>, %arg15: memref<!tpu.dma_semaphore, #tpu.memory_space<semaphore_mem>>, %arg16: memref<!tpu.dma_semaphore, #tpu.memory_space<semaphore_mem>>, %arg17: memref<!tpu.dma_semaphore, #tpu.memory_space<semaphore_mem>>, %arg18: memref<!tpu.dma_semaphore, #tpu.memory_space<semaphore_mem>>, %arg19: memref<!tpu.dma_semaphore, #tpu.memory_space<semaphore_mem>>, %arg20: memref<!tpu.dma_semaphore, #tpu.memory_space<semaphore_mem>>, %arg21: memref<!tpu.dma_semaphore, #tpu.memory_space<semaphore_mem>>, %arg22: memref<!tpu.dma_semaphore, #tpu.memory_space<semaphore_mem>>, %arg23: memref<!tpu.dma_semaphore, #tpu.memory_space<semaphore_mem>>) attributes {dimension_semantics = [#tpu.dimension_semantics<core_parallel>, #tpu.dimension_semantics<subcore_parallel>], iteration_bounds = array<i64: 2, 16>, scalar_prefetch = 0 : i64, scratch_operands = 18 : i64, tpu.core_type = #tpu.core_type<sc_vector_subcore>, window_params = [{transform_indices = #map}, {transform_indices = #map1}, {transform_indices = #map}, {transform_indices = #map}]} {
    %mul3A = arith.constant 625 : i32
    %mul3A_0 = arith.muli %arg1, %mul3A : i32
    %dma_start3A = arith.constant 0 : i32
    %dma_start3A_1 = tpu.memref_slice %arg13[%mul3A_0, %dma_start3A] : memref<10000x64xf32, #tpu.memory_space<vmem_shared>> -> memref<625x64xf32, #tpu.memory_space<vmem_shared>>
    tpu.enqueue_dma source(%arg4 : memref<625x64xf32, #tpu.memory_space<hbm>>) target(%dma_start3A_1 : memref<625x64xf32, #tpu.memory_space<vmem_shared>>) target_semaphore(%arg14 : memref<!tpu.dma_semaphore, #tpu.memory_space<semaphore_mem>>)
    %mul3A_2 = arith.constant 160 : i32
    %mul3A_3 = arith.muli %arg1, %mul3A_2 : i32
    %run_scoped3A = arith.constant 0 : i32
    "tpu.region"() ({
      %run_scoped3A_179 = tpu.sem_alloc : memref<!tpu.dma_semaphore, #tpu.memory_space<semaphore_mem>>
      %dma_start3A_180 = arith.constant 0 : i32
      %dma_start3A_181 = arith.constant 0 : i32
      %dma_start3A_182 = tpu.memref_slice %arg3[%run_scoped3A, %dma_start3A_180, %dma_start3A_181] : memref<2x2560x125xi32, #tpu.memory_space<hbm>> -> memref<1x2560x125xi32, #tpu.memory_space<hbm>>
      %dma_start3A_183 = tpu.memref_squeeze %dma_start3A_182 : memref<1x2560x125xi32, #tpu.memory_space<hbm>> -> memref<2560x125xi32, #tpu.memory_space<hbm>>
      %dma_start3A_184 = arith.constant 0 : i32
      %dma_start3A_185 = tpu.memref_slice %dma_start3A_183[%mul3A_3, %dma_start3A_184] : memref<2560x125xi32, #tpu.memory_space<hbm>> -> memref<160x125xi32, #tpu.memory_space<hbm>>
      %dma_start3A_186 = arith.constant 0 : i32
      %dma_start3A_187 = arith.constant 0 : i32
      %dma_start3A_188 = tpu.memref_slice %arg3[%run_scoped3A, %dma_start3A_186, %dma_start3A_187] : memref<2x2560x125xi32, #tpu.memory_space<hbm>> -> memref<1x2560x125xi32, #tpu.memory_space<hbm>>
      %dma_start3A_189 = tpu.memref_squeeze %dma_start3A_188 : memref<1x2560x125xi32, #tpu.memory_space<hbm>> -> memref<2560x125xi32, #tpu.memory_space<hbm>>
      %dma_start3A_190 = arith.constant 0 : i32
      %dma_start3A_191 = tpu.memref_slice %dma_start3A_189[%mul3A_3, %dma_start3A_190] : memref<2560x125xi32, #tpu.memory_space<hbm>> -> memref<160x125xi32, #tpu.memory_space<hbm>>
      tpu.enqueue_dma source(%dma_start3A_191 : memref<160x125xi32, #tpu.memory_space<hbm>>) target(%arg6 : memref<160x125xi32, #tpu.memory_space<vmem>>) target_semaphore(%run_scoped3A_179 : memref<!tpu.dma_semaphore, #tpu.memory_space<semaphore_mem>>)
      %dma_wait3A_192 = arith.constant 0 : i32
      %dma_wait3A_193 = arith.constant 0 : i32
      %dma_wait3A_194 = tpu.memref_slice %arg3[%run_scoped3A, %dma_wait3A_192, %dma_wait3A_193] : memref<2x2560x125xi32, #tpu.memory_space<hbm>> -> memref<1x2560x125xi32, #tpu.memory_space<hbm>>
      %dma_wait3A_195 = tpu.memref_squeeze %dma_wait3A_194 : memref<1x2560x125xi32, #tpu.memory_space<hbm>> -> memref<2560x125xi32, #tpu.memory_space<hbm>>
      %dma_wait3A_196 = arith.constant 0 : i32
      %dma_wait3A_197 = tpu.memref_slice %dma_wait3A_195[%mul3A_3, %dma_wait3A_196] : memref<2560x125xi32, #tpu.memory_space<hbm>> -> memref<160x125xi32, #tpu.memory_space<hbm>>
      %dma_wait3A_198 = arith.constant 0 : i32
      %dma_wait3A_199 = arith.constant 0 : i32
      %dma_wait3A_200 = tpu.memref_slice %arg3[%run_scoped3A, %dma_wait3A_198, %dma_wait3A_199] : memref<2x2560x125xi32, #tpu.memory_space<hbm>> -> memref<1x2560x125xi32, #tpu.memory_space<hbm>>
      %dma_wait3A_201 = tpu.memref_squeeze %dma_wait3A_200 : memref<1x2560x125xi32, #tpu.memory_space<hbm>> -> memref<2560x125xi32, #tpu.memory_space<hbm>>
      %dma_wait3A_202 = arith.constant 0 : i32
      %dma_wait3A_203 = tpu.memref_slice %dma_wait3A_201[%mul3A_3, %dma_wait3A_202] : memref<2560x125xi32, #tpu.memory_space<hbm>> -> memref<160x125xi32, #tpu.memory_space<hbm>>
      tpu.wait_dma2 semaphore(%run_scoped3A_179 : memref<!tpu.dma_semaphore, #tpu.memory_space<semaphore_mem>>) src(%dma_wait3A_203 : memref<160x125xi32, #tpu.memory_space<hbm>>) dst(%arg6 : memref<160x125xi32, #tpu.memory_space<vmem>>)
      tpu.yield
    }) : () -> ()
    %mul3A_4 = arith.constant 160 : i32
    %mul3A_5 = arith.muli %arg1, %mul3A_4 : i32
    %run_scoped3A_6 = arith.constant 1 : i32
    "tpu.region"() ({
      %run_scoped3A_179 = tpu.sem_alloc : memref<!tpu.dma_semaphore, #tpu.memory_space<semaphore_mem>>
      %dma_start3A_180 = arith.constant 0 : i32
      %dma_start3A_181 = arith.constant 0 : i32
      %dma_start3A_182 = tpu.memref_slice %arg3[%run_scoped3A_6, %dma_start3A_180, %dma_start3A_181] : memref<2x2560x125xi32, #tpu.memory_space<hbm>> -> memref<1x2560x125xi32, #tpu.memory_space<hbm>>
      %dma_start3A_183 = tpu.memref_squeeze %dma_start3A_182 : memref<1x2560x125xi32, #tpu.memory_space<hbm>> -> memref<2560x125xi32, #tpu.memory_space<hbm>>
      %dma_start3A_184 = arith.constant 0 : i32
      %dma_start3A_185 = tpu.memref_slice %dma_start3A_183[%mul3A_5, %dma_start3A_184] : memref<2560x125xi32, #tpu.memory_space<hbm>> -> memref<160x125xi32, #tpu.memory_space<hbm>>
      %dma_start3A_186 = arith.constant 0 : i32
      %dma_start3A_187 = arith.constant 0 : i32
      %dma_start3A_188 = tpu.memref_slice %arg3[%run_scoped3A_6, %dma_start3A_186, %dma_start3A_187] : memref<2x2560x125xi32, #tpu.memory_space<hbm>> -> memref<1x2560x125xi32, #tpu.memory_space<hbm>>
      %dma_start3A_189 = tpu.memref_squeeze %dma_start3A_188 : memref<1x2560x125xi32, #tpu.memory_space<hbm>> -> memref<2560x125xi32, #tpu.memory_space<hbm>>
      %dma_start3A_190 = arith.constant 0 : i32
      %dma_start3A_191 = tpu.memref_slice %dma_start3A_189[%mul3A_5, %dma_start3A_190] : memref<2560x125xi32, #tpu.memory_space<hbm>> -> memref<160x125xi32, #tpu.memory_space<hbm>>
      tpu.enqueue_dma source(%dma_start3A_191 : memref<160x125xi32, #tpu.memory_space<hbm>>) target(%arg7 : memref<160x125xi32, #tpu.memory_space<vmem>>) target_semaphore(%run_scoped3A_179 : memref<!tpu.dma_semaphore, #tpu.memory_space<semaphore_mem>>)
      %dma_wait3A_192 = arith.constant 0 : i32
      %dma_wait3A_193 = arith.constant 0 : i32
      %dma_wait3A_194 = tpu.memref_slice %arg3[%run_scoped3A_6, %dma_wait3A_192, %dma_wait3A_193] : memref<2x2560x125xi32, #tpu.memory_space<hbm>> -> memref<1x2560x125xi32, #tpu.memory_space<hbm>>
      %dma_wait3A_195 = tpu.memref_squeeze %dma_wait3A_194 : memref<1x2560x125xi32, #tpu.memory_space<hbm>> -> memref<2560x125xi32, #tpu.memory_space<hbm>>
      %dma_wait3A_196 = arith.constant 0 : i32
      %dma_wait3A_197 = tpu.memref_slice %dma_wait3A_195[%mul3A_5, %dma_wait3A_196] : memref<2560x125xi32, #tpu.memory_space<hbm>> -> memref<160x125xi32, #tpu.memory_space<hbm>>
      %dma_wait3A_198 = arith.constant 0 : i32
      %dma_wait3A_199 = arith.constant 0 : i32
      %dma_wait3A_200 = tpu.memref_slice %arg3[%run_scoped3A_6, %dma_wait3A_198, %dma_wait3A_199] : memref<2x2560x125xi32, #tpu.memory_space<hbm>> -> memref<1x2560x125xi32, #tpu.memory_space<hbm>>
      %dma_wait3A_201 = tpu.memref_squeeze %dma_wait3A_200 : memref<1x2560x125xi32, #tpu.memory_space<hbm>> -> memref<2560x125xi32, #tpu.memory_space<hbm>>
      %dma_wait3A_202 = arith.constant 0 : i32
      %dma_wait3A_203 = tpu.memref_slice %dma_wait3A_201[%mul3A_5, %dma_wait3A_202] : memref<2560x125xi32, #tpu.memory_space<hbm>> -> memref<160x125xi32, #tpu.memory_space<hbm>>
      tpu.wait_dma2 semaphore(%run_scoped3A_179 : memref<!tpu.dma_semaphore, #tpu.memory_space<semaphore_mem>>) src(%dma_wait3A_203 : memref<160x125xi32, #tpu.memory_space<hbm>>) dst(%arg7 : memref<160x125xi32, #tpu.memory_space<vmem>>)
      tpu.yield
    }) : () -> ()
    %dma_wait3A = arith.constant 0 : i32
    %dma_wait3A_7 = tpu.memref_slice %arg13[%mul3A_0, %dma_wait3A] : memref<10000x64xf32, #tpu.memory_space<vmem_shared>> -> memref<625x64xf32, #tpu.memory_space<vmem_shared>>
    tpu.wait_dma2 semaphore(%arg14 : memref<!tpu.dma_semaphore, #tpu.memory_space<semaphore_mem>>) src(%arg4 : memref<625x64xf32, #tpu.memory_space<hbm>>) dst(%dma_wait3A_7 : memref<625x64xf32, #tpu.memory_space<vmem_shared>>)
    %barrier3A = arith.constant 0 : index
    tpu.barrier barrier_id(%barrier3A)
    %dma_start3A_8 = arith.constant 0 : i32
    %dma_start3A_9 = arith.constant 0 : i32
    %dma_start3A_10 = tpu.memref_slice %arg6[%dma_start3A_8, %dma_start3A_9] : memref<160x125xi32, #tpu.memory_space<vmem>> -> memref<1x125xi32, #tpu.memory_space<vmem>>
    %dma_start3A_11 = tpu.memref_squeeze %dma_start3A_10 : memref<1x125xi32, #tpu.memory_space<vmem>> -> memref<125xi32, #tpu.memory_space<vmem>>
    %dma_start3A_12 = arith.constant 0 : i32
    %dma_start3A_13 = tpu.memref_slice %arg2[%arg0, %dma_start3A_12] : memref<20000x64xf32, #tpu.memory_space<hbm>> -> memref<19999x64xf32, #tpu.memory_space<hbm>>
    %dma_start3A_14 = arith.constant 0 : i32
    %dma_start3A_15 = arith.constant 0 : i32
    %dma_start3A_16 = tpu.memref_slice %dma_start3A_13[%dma_start3A_14, %dma_start3A_15] : memref<19999x64xf32, #tpu.memory_space<hbm>> -> memref<19999x64xf32, #tpu.memory_space<hbm>>
    tpu.enqueue_indirect_dma source(%dma_start3A_16 : memref<19999x64xf32, #tpu.memory_space<hbm>>) target(%arg8 : memref<125x64xf32, #tpu.memory_space<vmem>>) offsets(%dma_start3A_11 : memref<125xi32, #tpu.memory_space<vmem>>) semaphore(%arg14 : memref<!tpu.dma_semaphore, #tpu.memory_space<semaphore_mem>>)
    %dma_start3A_17 = arith.constant 1 : i32
    %dma_start3A_18 = arith.constant 0 : i32
    %dma_start3A_19 = tpu.memref_slice %arg6[%dma_start3A_17, %dma_start3A_18] : memref<160x125xi32, #tpu.memory_space<vmem>> -> memref<1x125xi32, #tpu.memory_space<vmem>>
    %dma_start3A_20 = tpu.memref_squeeze %dma_start3A_19 : memref<1x125xi32, #tpu.memory_space<vmem>> -> memref<125xi32, #tpu.memory_space<vmem>>
    %dma_start3A_21 = arith.constant 0 : i32
    %dma_start3A_22 = tpu.memref_slice %arg2[%arg0, %dma_start3A_21] : memref<20000x64xf32, #tpu.memory_space<hbm>> -> memref<19999x64xf32, #tpu.memory_space<hbm>>
    %dma_start3A_23 = arith.constant 0 : i32
    %dma_start3A_24 = arith.constant 0 : i32
    %dma_start3A_25 = tpu.memref_slice %dma_start3A_22[%dma_start3A_23, %dma_start3A_24] : memref<19999x64xf32, #tpu.memory_space<hbm>> -> memref<19999x64xf32, #tpu.memory_space<hbm>>
    tpu.enqueue_indirect_dma source(%dma_start3A_25 : memref<19999x64xf32, #tpu.memory_space<hbm>>) target(%arg9 : memref<125x64xf32, #tpu.memory_space<vmem>>) offsets(%dma_start3A_20 : memref<125xi32, #tpu.memory_space<vmem>>) semaphore(%arg15 : memref<!tpu.dma_semaphore, #tpu.memory_space<semaphore_mem>>)
    %dma_start3A_26 = arith.constant 2 : i32
    %dma_start3A_27 = arith.constant 0 : i32
    %dma_start3A_28 = tpu.memref_slice %arg6[%dma_start3A_26, %dma_start3A_27] : memref<160x125xi32, #tpu.memory_space<vmem>> -> memref<1x125xi32, #tpu.memory_space<vmem>>
    %dma_start3A_29 = tpu.memref_squeeze %dma_start3A_28 : memref<1x125xi32, #tpu.memory_space<vmem>> -> memref<125xi32, #tpu.memory_space<vmem>>
    %dma_start3A_30 = arith.constant 0 : i32
    %dma_start3A_31 = tpu.memref_slice %arg2[%arg0, %dma_start3A_30] : memref<20000x64xf32, #tpu.memory_space<hbm>> -> memref<19999x64xf32, #tpu.memory_space<hbm>>
    %dma_start3A_32 = arith.constant 0 : i32
    %dma_start3A_33 = arith.constant 0 : i32
    %dma_start3A_34 = tpu.memref_slice %dma_start3A_31[%dma_start3A_32, %dma_start3A_33] : memref<19999x64xf32, #tpu.memory_space<hbm>> -> memref<19999x64xf32, #tpu.memory_space<hbm>>
    tpu.enqueue_indirect_dma source(%dma_start3A_34 : memref<19999x64xf32, #tpu.memory_space<hbm>>) target(%arg10 : memref<125x64xf32, #tpu.memory_space<vmem>>) offsets(%dma_start3A_29 : memref<125xi32, #tpu.memory_space<vmem>>) semaphore(%arg16 : memref<!tpu.dma_semaphore, #tpu.memory_space<semaphore_mem>>)
    %dma_start3A_35 = arith.constant 3 : i32
    %dma_start3A_36 = arith.constant 0 : i32
    %dma_start3A_37 = tpu.memref_slice %arg6[%dma_start3A_35, %dma_start3A_36] : memref<160x125xi32, #tpu.memory_space<vmem>> -> memref<1x125xi32, #tpu.memory_space<vmem>>
    %dma_start3A_38 = tpu.memref_squeeze %dma_start3A_37 : memref<1x125xi32, #tpu.memory_space<vmem>> -> memref<125xi32, #tpu.memory_space<vmem>>
    %dma_start3A_39 = arith.constant 0 : i32
    %dma_start3A_40 = tpu.memref_slice %arg2[%arg0, %dma_start3A_39] : memref<20000x64xf32, #tpu.memory_space<hbm>> -> memref<19999x64xf32, #tpu.memory_space<hbm>>
    %dma_start3A_41 = arith.constant 0 : i32
    %dma_start3A_42 = arith.constant 0 : i32
    %dma_start3A_43 = tpu.memref_slice %dma_start3A_40[%dma_start3A_41, %dma_start3A_42] : memref<19999x64xf32, #tpu.memory_space<hbm>> -> memref<19999x64xf32, #tpu.memory_space<hbm>>
    tpu.enqueue_indirect_dma source(%dma_start3A_43 : memref<19999x64xf32, #tpu.memory_space<hbm>>) target(%arg11 : memref<125x64xf32, #tpu.memory_space<vmem>>) offsets(%dma_start3A_38 : memref<125xi32, #tpu.memory_space<vmem>>) semaphore(%arg17 : memref<!tpu.dma_semaphore, #tpu.memory_space<semaphore_mem>>)
    %dma_start3A_44 = arith.constant 4 : i32
    %dma_start3A_45 = arith.constant 0 : i32
    %dma_start3A_46 = tpu.memref_slice %arg6[%dma_start3A_44, %dma_start3A_45] : memref<160x125xi32, #tpu.memory_space<vmem>> -> memref<1x125xi32, #tpu.memory_space<vmem>>
    %dma_start3A_47 = tpu.memref_squeeze %dma_start3A_46 : memref<1x125xi32, #tpu.memory_space<vmem>> -> memref<125xi32, #tpu.memory_space<vmem>>
    %dma_start3A_48 = arith.constant 0 : i32
    %dma_start3A_49 = tpu.memref_slice %arg2[%arg0, %dma_start3A_48] : memref<20000x64xf32, #tpu.memory_space<hbm>> -> memref<19999x64xf32, #tpu.memory_space<hbm>>
    %dma_start3A_50 = arith.constant 0 : i32
    %dma_start3A_51 = arith.constant 0 : i32
    %dma_start3A_52 = tpu.memref_slice %dma_start3A_49[%dma_start3A_50, %dma_start3A_51] : memref<19999x64xf32, #tpu.memory_space<hbm>> -> memref<19999x64xf32, #tpu.memory_space<hbm>>
    tpu.enqueue_indirect_dma source(%dma_start3A_52 : memref<19999x64xf32, #tpu.memory_space<hbm>>) target(%arg12 : memref<125x64xf32, #tpu.memory_space<vmem>>) offsets(%dma_start3A_47 : memref<125xi32, #tpu.memory_space<vmem>>) semaphore(%arg18 : memref<!tpu.dma_semaphore, #tpu.memory_space<semaphore_mem>>)
    %scan3A = arith.constant 0 : i32
    %scan3A_53 = arith.constant 0 : i32
    %scan3A_54 = arith.constant 31 : i32
    %scan3A_55 = arith.addi %scan3A_53, %scan3A_54 : i32
    %scan3A_56 = arith.constant 1 : i32
    scf.for %scan3A_179 = %scan3A_53 to %scan3A_55 step %scan3A_56  : i32 {
      %mul3A_180 = arith.constant 5 : i32
      %mul3A_181 = arith.muli %mul3A_180, %scan3A_179 : i32
      %add3A = arith.constant 0 : i32
      %add3A_182 = arith.addi %mul3A_181, %add3A : i32
      %dma_wait3A_183 = arith.constant 0 : i32
      %dma_wait3A_184 = tpu.memref_slice %arg6[%add3A_182, %dma_wait3A_183] : memref<160x125xi32, #tpu.memory_space<vmem>> -> memref<1x125xi32, #tpu.memory_space<vmem>>
      %dma_wait3A_185 = tpu.memref_squeeze %dma_wait3A_184 : memref<1x125xi32, #tpu.memory_space<vmem>> -> memref<125xi32, #tpu.memory_space<vmem>>
      %dma_wait3A_186 = arith.constant 0 : i32
      %dma_wait3A_187 = tpu.memref_slice %arg2[%arg0, %dma_wait3A_186] : memref<20000x64xf32, #tpu.memory_space<hbm>> -> memref<19999x64xf32, #tpu.memory_space<hbm>>
      %dma_wait3A_188 = arith.constant 0 : i32
      %dma_wait3A_189 = arith.constant 0 : i32
      %dma_wait3A_190 = tpu.memref_slice %dma_wait3A_187[%dma_wait3A_188, %dma_wait3A_189] : memref<19999x64xf32, #tpu.memory_space<hbm>> -> memref<19999x64xf32, #tpu.memory_space<hbm>>
      tpu.wait_indirect_dma semaphore(%arg14 : memref<!tpu.dma_semaphore, #tpu.memory_space<semaphore_mem>>) src(%dma_wait3A_190 : memref<19999x64xf32, #tpu.memory_space<hbm>>) dst(%arg8 : memref<125x64xf32, #tpu.memory_space<vmem>>)
      %add3A_191 = arith.constant 0 : i32
      %add3A_192 = arith.addi %mul3A_181, %add3A_191 : i32
      %dma_start3A_193 = arith.constant 0 : i32
      %dma_start3A_194 = tpu.memref_slice %arg7[%add3A_192, %dma_start3A_193] : memref<160x125xi32, #tpu.memory_space<vmem>> -> memref<1x125xi32, #tpu.memory_space<vmem>>
      %dma_start3A_195 = tpu.memref_squeeze %dma_start3A_194 : memref<1x125xi32, #tpu.memory_space<vmem>> -> memref<125xi32, #tpu.memory_space<vmem>>
      %dma_start3A_196 = arith.constant 0 : i32
      %dma_start3A_197 = arith.constant 0 : i32
      %dma_start3A_198 = tpu.memref_slice %arg13[%dma_start3A_196, %dma_start3A_197] : memref<10000x64xf32, #tpu.memory_space<vmem_shared>> -> memref<10000x64xf32, #tpu.memory_space<vmem_shared>>
      tpu.enqueue_indirect_dma source(%arg8 : memref<125x64xf32, #tpu.memory_space<vmem>>) target(%dma_start3A_198 : memref<10000x64xf32, #tpu.memory_space<vmem_shared>>) offsets(%dma_start3A_195 : memref<125xi32, #tpu.memory_space<vmem>>) semaphore(%arg19 : memref<!tpu.dma_semaphore, #tpu.memory_space<semaphore_mem>>) {add = true}
      %add3A_199 = arith.constant 1 : i32
      %add3A_200 = arith.addi %mul3A_181, %add3A_199 : i32
      %dma_wait3A_201 = arith.constant 0 : i32
      %dma_wait3A_202 = tpu.memref_slice %arg6[%add3A_200, %dma_wait3A_201] : memref<160x125xi32, #tpu.memory_space<vmem>> -> memref<1x125xi32, #tpu.memory_space<vmem>>
      %dma_wait3A_203 = tpu.memref_squeeze %dma_wait3A_202 : memref<1x125xi32, #tpu.memory_space<vmem>> -> memref<125xi32, #tpu.memory_space<vmem>>
      %dma_wait3A_204 = arith.constant 0 : i32
      %dma_wait3A_205 = tpu.memref_slice %arg2[%arg0, %dma_wait3A_204] : memref<20000x64xf32, #tpu.memory_space<hbm>> -> memref<19999x64xf32, #tpu.memory_space<hbm>>
      %dma_wait3A_206 = arith.constant 0 : i32
      %dma_wait3A_207 = arith.constant 0 : i32
      %dma_wait3A_208 = tpu.memref_slice %dma_wait3A_205[%dma_wait3A_206, %dma_wait3A_207] : memref<19999x64xf32, #tpu.memory_space<hbm>> -> memref<19999x64xf32, #tpu.memory_space<hbm>>
      tpu.wait_indirect_dma semaphore(%arg15 : memref<!tpu.dma_semaphore, #tpu.memory_space<semaphore_mem>>) src(%dma_wait3A_208 : memref<19999x64xf32, #tpu.memory_space<hbm>>) dst(%arg9 : memref<125x64xf32, #tpu.memory_space<vmem>>)
      %add3A_209 = arith.constant 1 : i32
      %add3A_210 = arith.addi %mul3A_181, %add3A_209 : i32
      %dma_start3A_211 = arith.constant 0 : i32
      %dma_start3A_212 = tpu.memref_slice %arg7[%add3A_210, %dma_start3A_211] : memref<160x125xi32, #tpu.memory_space<vmem>> -> memref<1x125xi32, #tpu.memory_space<vmem>>
      %dma_start3A_213 = tpu.memref_squeeze %dma_start3A_212 : memref<1x125xi32, #tpu.memory_space<vmem>> -> memref<125xi32, #tpu.memory_space<vmem>>
      %dma_start3A_214 = arith.constant 0 : i32
      %dma_start3A_215 = arith.constant 0 : i32
      %dma_start3A_216 = tpu.memref_slice %arg13[%dma_start3A_214, %dma_start3A_215] : memref<10000x64xf32, #tpu.memory_space<vmem_shared>> -> memref<10000x64xf32, #tpu.memory_space<vmem_shared>>
      tpu.enqueue_indirect_dma source(%arg9 : memref<125x64xf32, #tpu.memory_space<vmem>>) target(%dma_start3A_216 : memref<10000x64xf32, #tpu.memory_space<vmem_shared>>) offsets(%dma_start3A_213 : memref<125xi32, #tpu.memory_space<vmem>>) semaphore(%arg20 : memref<!tpu.dma_semaphore, #tpu.memory_space<semaphore_mem>>) {add = true}
      %add3A_217 = arith.constant 2 : i32
      %add3A_218 = arith.addi %mul3A_181, %add3A_217 : i32
      %dma_wait3A_219 = arith.constant 0 : i32
      %dma_wait3A_220 = tpu.memref_slice %arg6[%add3A_218, %dma_wait3A_219] : memref<160x125xi32, #tpu.memory_space<vmem>> -> memref<1x125xi32, #tpu.memory_space<vmem>>
      %dma_wait3A_221 = tpu.memref_squeeze %dma_wait3A_220 : memref<1x125xi32, #tpu.memory_space<vmem>> -> memref<125xi32, #tpu.memory_space<vmem>>
      %dma_wait3A_222 = arith.constant 0 : i32
      %dma_wait3A_223 = tpu.memref_slice %arg2[%arg0, %dma_wait3A_222] : memref<20000x64xf32, #tpu.memory_space<hbm>> -> memref<19999x64xf32, #tpu.memory_space<hbm>>
      %dma_wait3A_224 = arith.constant 0 : i32
      %dma_wait3A_225 = arith.constant 0 : i32
      %dma_wait3A_226 = tpu.memref_slice %dma_wait3A_223[%dma_wait3A_224, %dma_wait3A_225] : memref<19999x64xf32, #tpu.memory_space<hbm>> -> memref<19999x64xf32, #tpu.memory_space<hbm>>
      tpu.wait_indirect_dma semaphore(%arg16 : memref<!tpu.dma_semaphore, #tpu.memory_space<semaphore_mem>>) src(%dma_wait3A_226 : memref<19999x64xf32, #tpu.memory_space<hbm>>) dst(%arg10 : memref<125x64xf32, #tpu.memory_space<vmem>>)
      %add3A_227 = arith.constant 2 : i32
      %add3A_228 = arith.addi %mul3A_181, %add3A_227 : i32
      %dma_start3A_229 = arith.constant 0 : i32
      %dma_start3A_230 = tpu.memref_slice %arg7[%add3A_228, %dma_start3A_229] : memref<160x125xi32, #tpu.memory_space<vmem>> -> memref<1x125xi32, #tpu.memory_space<vmem>>
      %dma_start3A_231 = tpu.memref_squeeze %dma_start3A_230 : memref<1x125xi32, #tpu.memory_space<vmem>> -> memref<125xi32, #tpu.memory_space<vmem>>
      %dma_start3A_232 = arith.constant 0 : i32
      %dma_start3A_233 = arith.constant 0 : i32
      %dma_start3A_234 = tpu.memref_slice %arg13[%dma_start3A_232, %dma_start3A_233] : memref<10000x64xf32, #tpu.memory_space<vmem_shared>> -> memref<10000x64xf32, #tpu.memory_space<vmem_shared>>
      tpu.enqueue_indirect_dma source(%arg10 : memref<125x64xf32, #tpu.memory_space<vmem>>) target(%dma_start3A_234 : memref<10000x64xf32, #tpu.memory_space<vmem_shared>>) offsets(%dma_start3A_231 : memref<125xi32, #tpu.memory_space<vmem>>) semaphore(%arg21 : memref<!tpu.dma_semaphore, #tpu.memory_space<semaphore_mem>>) {add = true}
      %add3A_235 = arith.constant 3 : i32
      %add3A_236 = arith.addi %mul3A_181, %add3A_235 : i32
      %dma_wait3A_237 = arith.constant 0 : i32
      %dma_wait3A_238 = tpu.memref_slice %arg6[%add3A_236, %dma_wait3A_237] : memref<160x125xi32, #tpu.memory_space<vmem>> -> memref<1x125xi32, #tpu.memory_space<vmem>>
      %dma_wait3A_239 = tpu.memref_squeeze %dma_wait3A_238 : memref<1x125xi32, #tpu.memory_space<vmem>> -> memref<125xi32, #tpu.memory_space<vmem>>
      %dma_wait3A_240 = arith.constant 0 : i32
      %dma_wait3A_241 = tpu.memref_slice %arg2[%arg0, %dma_wait3A_240] : memref<20000x64xf32, #tpu.memory_space<hbm>> -> memref<19999x64xf32, #tpu.memory_space<hbm>>
      %dma_wait3A_242 = arith.constant 0 : i32
      %dma_wait3A_243 = arith.constant 0 : i32
      %dma_wait3A_244 = tpu.memref_slice %dma_wait3A_241[%dma_wait3A_242, %dma_wait3A_243] : memref<19999x64xf32, #tpu.memory_space<hbm>> -> memref<19999x64xf32, #tpu.memory_space<hbm>>
      tpu.wait_indirect_dma semaphore(%arg17 : memref<!tpu.dma_semaphore, #tpu.memory_space<semaphore_mem>>) src(%dma_wait3A_244 : memref<19999x64xf32, #tpu.memory_space<hbm>>) dst(%arg11 : memref<125x64xf32, #tpu.memory_space<vmem>>)
      %add3A_245 = arith.constant 3 : i32
      %add3A_246 = arith.addi %mul3A_181, %add3A_245 : i32
      %dma_start3A_247 = arith.constant 0 : i32
      %dma_start3A_248 = tpu.memref_slice %arg7[%add3A_246, %dma_start3A_247] : memref<160x125xi32, #tpu.memory_space<vmem>> -> memref<1x125xi32, #tpu.memory_space<vmem>>
      %dma_start3A_249 = tpu.memref_squeeze %dma_start3A_248 : memref<1x125xi32, #tpu.memory_space<vmem>> -> memref<125xi32, #tpu.memory_space<vmem>>
      %dma_start3A_250 = arith.constant 0 : i32
      %dma_start3A_251 = arith.constant 0 : i32
      %dma_start3A_252 = tpu.memref_slice %arg13[%dma_start3A_250, %dma_start3A_251] : memref<10000x64xf32, #tpu.memory_space<vmem_shared>> -> memref<10000x64xf32, #tpu.memory_space<vmem_shared>>
      tpu.enqueue_indirect_dma source(%arg11 : memref<125x64xf32, #tpu.memory_space<vmem>>) target(%dma_start3A_252 : memref<10000x64xf32, #tpu.memory_space<vmem_shared>>) offsets(%dma_start3A_249 : memref<125xi32, #tpu.memory_space<vmem>>) semaphore(%arg22 : memref<!tpu.dma_semaphore, #tpu.memory_space<semaphore_mem>>) {add = true}
      %add3A_253 = arith.constant 4 : i32
      %add3A_254 = arith.addi %mul3A_181, %add3A_253 : i32
      %dma_wait3A_255 = arith.constant 0 : i32
      %dma_wait3A_256 = tpu.memref_slice %arg6[%add3A_254, %dma_wait3A_255] : memref<160x125xi32, #tpu.memory_space<vmem>> -> memref<1x125xi32, #tpu.memory_space<vmem>>
      %dma_wait3A_257 = tpu.memref_squeeze %dma_wait3A_256 : memref<1x125xi32, #tpu.memory_space<vmem>> -> memref<125xi32, #tpu.memory_space<vmem>>
      %dma_wait3A_258 = arith.constant 0 : i32
      %dma_wait3A_259 = tpu.memref_slice %arg2[%arg0, %dma_wait3A_258] : memref<20000x64xf32, #tpu.memory_space<hbm>> -> memref<19999x64xf32, #tpu.memory_space<hbm>>
      %dma_wait3A_260 = arith.constant 0 : i32
      %dma_wait3A_261 = arith.constant 0 : i32
      %dma_wait3A_262 = tpu.memref_slice %dma_wait3A_259[%dma_wait3A_260, %dma_wait3A_261] : memref<19999x64xf32, #tpu.memory_space<hbm>> -> memref<19999x64xf32, #tpu.memory_space<hbm>>
      tpu.wait_indirect_dma semaphore(%arg18 : memref<!tpu.dma_semaphore, #tpu.memory_space<semaphore_mem>>) src(%dma_wait3A_262 : memref<19999x64xf32, #tpu.memory_space<hbm>>) dst(%arg12 : memref<125x64xf32, #tpu.memory_space<vmem>>)
      %add3A_263 = arith.constant 4 : i32
      %add3A_264 = arith.addi %mul3A_181, %add3A_263 : i32
      %dma_start3A_265 = arith.constant 0 : i32
      %dma_start3A_266 = tpu.memref_slice %arg7[%add3A_264, %dma_start3A_265] : memref<160x125xi32, #tpu.memory_space<vmem>> -> memref<1x125xi32, #tpu.memory_space<vmem>>
      %dma_start3A_267 = tpu.memref_squeeze %dma_start3A_266 : memref<1x125xi32, #tpu.memory_space<vmem>> -> memref<125xi32, #tpu.memory_space<vmem>>
      %dma_start3A_268 = arith.constant 0 : i32
      %dma_start3A_269 = arith.constant 0 : i32
      %dma_start3A_270 = tpu.memref_slice %arg13[%dma_start3A_268, %dma_start3A_269] : memref<10000x64xf32, #tpu.memory_space<vmem_shared>> -> memref<10000x64xf32, #tpu.memory_space<vmem_shared>>
      tpu.enqueue_indirect_dma source(%arg12 : memref<125x64xf32, #tpu.memory_space<vmem>>) target(%dma_start3A_270 : memref<10000x64xf32, #tpu.memory_space<vmem_shared>>) offsets(%dma_start3A_267 : memref<125xi32, #tpu.memory_space<vmem>>) semaphore(%arg23 : memref<!tpu.dma_semaphore, #tpu.memory_space<semaphore_mem>>) {add = true}
      %add3A_271 = arith.constant 0 : i32
      %add3A_272 = arith.addi %mul3A_181, %add3A_271 : i32
      %dma_wait3A_273 = arith.constant 0 : i32
      %dma_wait3A_274 = tpu.memref_slice %arg7[%add3A_272, %dma_wait3A_273] : memref<160x125xi32, #tpu.memory_space<vmem>> -> memref<1x125xi32, #tpu.memory_space<vmem>>
      %dma_wait3A_275 = tpu.memref_squeeze %dma_wait3A_274 : memref<1x125xi32, #tpu.memory_space<vmem>> -> memref<125xi32, #tpu.memory_space<vmem>>
      %dma_wait3A_276 = arith.constant 0 : i32
      %dma_wait3A_277 = arith.constant 0 : i32
      %dma_wait3A_278 = tpu.memref_slice %arg13[%dma_wait3A_276, %dma_wait3A_277] : memref<10000x64xf32, #tpu.memory_space<vmem_shared>> -> memref<10000x64xf32, #tpu.memory_space<vmem_shared>>
      tpu.wait_indirect_dma semaphore(%arg19 : memref<!tpu.dma_semaphore, #tpu.memory_space<semaphore_mem>>) src(%arg8 : memref<125x64xf32, #tpu.memory_space<vmem>>) dst(%dma_wait3A_278 : memref<10000x64xf32, #tpu.memory_space<vmem_shared>>)
      %add3A_279 = arith.constant 5 : i32
      %add3A_280 = arith.addi %mul3A_181, %add3A_279 : i32
      %add3A_281 = arith.constant 0 : i32
      %add3A_282 = arith.addi %add3A_280, %add3A_281 : i32
      %dma_start3A_283 = arith.constant 0 : i32
      %dma_start3A_284 = tpu.memref_slice %arg6[%add3A_282, %dma_start3A_283] : memref<160x125xi32, #tpu.memory_space<vmem>> -> memref<1x125xi32, #tpu.memory_space<vmem>>
      %dma_start3A_285 = tpu.memref_squeeze %dma_start3A_284 : memref<1x125xi32, #tpu.memory_space<vmem>> -> memref<125xi32, #tpu.memory_space<vmem>>
      %dma_start3A_286 = arith.constant 0 : i32
      %dma_start3A_287 = tpu.memref_slice %arg2[%arg0, %dma_start3A_286] : memref<20000x64xf32, #tpu.memory_space<hbm>> -> memref<19999x64xf32, #tpu.memory_space<hbm>>
      %dma_start3A_288 = arith.constant 0 : i32
      %dma_start3A_289 = arith.constant 0 : i32
      %dma_start3A_290 = tpu.memref_slice %dma_start3A_287[%dma_start3A_288, %dma_start3A_289] : memref<19999x64xf32, #tpu.memory_space<hbm>> -> memref<19999x64xf32, #tpu.memory_space<hbm>>
      tpu.enqueue_indirect_dma source(%dma_start3A_290 : memref<19999x64xf32, #tpu.memory_space<hbm>>) target(%arg8 : memref<125x64xf32, #tpu.memory_space<vmem>>) offsets(%dma_start3A_285 : memref<125xi32, #tpu.memory_space<vmem>>) semaphore(%arg14 : memref<!tpu.dma_semaphore, #tpu.memory_space<semaphore_mem>>)
      %add3A_291 = arith.constant 1 : i32
      %add3A_292 = arith.addi %mul3A_181, %add3A_291 : i32
      %dma_wait3A_293 = arith.constant 0 : i32
      %dma_wait3A_294 = tpu.memref_slice %arg7[%add3A_292, %dma_wait3A_293] : memref<160x125xi32, #tpu.memory_space<vmem>> -> memref<1x125xi32, #tpu.memory_space<vmem>>
      %dma_wait3A_295 = tpu.memref_squeeze %dma_wait3A_294 : memref<1x125xi32, #tpu.memory_space<vmem>> -> memref<125xi32, #tpu.memory_space<vmem>>
      %dma_wait3A_296 = arith.constant 0 : i32
      %dma_wait3A_297 = arith.constant 0 : i32
      %dma_wait3A_298 = tpu.memref_slice %arg13[%dma_wait3A_296, %dma_wait3A_297] : memref<10000x64xf32, #tpu.memory_space<vmem_shared>> -> memref<10000x64xf32, #tpu.memory_space<vmem_shared>>
      tpu.wait_indirect_dma semaphore(%arg20 : memref<!tpu.dma_semaphore, #tpu.memory_space<semaphore_mem>>) src(%arg9 : memref<125x64xf32, #tpu.memory_space<vmem>>) dst(%dma_wait3A_298 : memref<10000x64xf32, #tpu.memory_space<vmem_shared>>)
      %add3A_299 = arith.constant 5 : i32
      %add3A_300 = arith.addi %mul3A_181, %add3A_299 : i32
      %add3A_301 = arith.constant 1 : i32
      %add3A_302 = arith.addi %add3A_300, %add3A_301 : i32
      %dma_start3A_303 = arith.constant 0 : i32
      %dma_start3A_304 = tpu.memref_slice %arg6[%add3A_302, %dma_start3A_303] : memref<160x125xi32, #tpu.memory_space<vmem>> -> memref<1x125xi32, #tpu.memory_space<vmem>>
      %dma_start3A_305 = tpu.memref_squeeze %dma_start3A_304 : memref<1x125xi32, #tpu.memory_space<vmem>> -> memref<125xi32, #tpu.memory_space<vmem>>
      %dma_start3A_306 = arith.constant 0 : i32
      %dma_start3A_307 = tpu.memref_slice %arg2[%arg0, %dma_start3A_306] : memref<20000x64xf32, #tpu.memory_space<hbm>> -> memref<19999x64xf32, #tpu.memory_space<hbm>>
      %dma_start3A_308 = arith.constant 0 : i32
      %dma_start3A_309 = arith.constant 0 : i32
      %dma_start3A_310 = tpu.memref_slice %dma_start3A_307[%dma_start3A_308, %dma_start3A_309] : memref<19999x64xf32, #tpu.memory_space<hbm>> -> memref<19999x64xf32, #tpu.memory_space<hbm>>
      tpu.enqueue_indirect_dma source(%dma_start3A_310 : memref<19999x64xf32, #tpu.memory_space<hbm>>) target(%arg9 : memref<125x64xf32, #tpu.memory_space<vmem>>) offsets(%dma_start3A_305 : memref<125xi32, #tpu.memory_space<vmem>>) semaphore(%arg15 : memref<!tpu.dma_semaphore, #tpu.memory_space<semaphore_mem>>)
      %add3A_311 = arith.constant 2 : i32
      %add3A_312 = arith.addi %mul3A_181, %add3A_311 : i32
      %dma_wait3A_313 = arith.constant 0 : i32
      %dma_wait3A_314 = tpu.memref_slice %arg7[%add3A_312, %dma_wait3A_313] : memref<160x125xi32, #tpu.memory_space<vmem>> -> memref<1x125xi32, #tpu.memory_space<vmem>>
      %dma_wait3A_315 = tpu.memref_squeeze %dma_wait3A_314 : memref<1x125xi32, #tpu.memory_space<vmem>> -> memref<125xi32, #tpu.memory_space<vmem>>
      %dma_wait3A_316 = arith.constant 0 : i32
      %dma_wait3A_317 = arith.constant 0 : i32
      %dma_wait3A_318 = tpu.memref_slice %arg13[%dma_wait3A_316, %dma_wait3A_317] : memref<10000x64xf32, #tpu.memory_space<vmem_shared>> -> memref<10000x64xf32, #tpu.memory_space<vmem_shared>>
      tpu.wait_indirect_dma semaphore(%arg21 : memref<!tpu.dma_semaphore, #tpu.memory_space<semaphore_mem>>) src(%arg10 : memref<125x64xf32, #tpu.memory_space<vmem>>) dst(%dma_wait3A_318 : memref<10000x64xf32, #tpu.memory_space<vmem_shared>>)
      %add3A_319 = arith.constant 5 : i32
      %add3A_320 = arith.addi %mul3A_181, %add3A_319 : i32
      %add3A_321 = arith.constant 2 : i32
      %add3A_322 = arith.addi %add3A_320, %add3A_321 : i32
      %dma_start3A_323 = arith.constant 0 : i32
      %dma_start3A_324 = tpu.memref_slice %arg6[%add3A_322, %dma_start3A_323] : memref<160x125xi32, #tpu.memory_space<vmem>> -> memref<1x125xi32, #tpu.memory_space<vmem>>
      %dma_start3A_325 = tpu.memref_squeeze %dma_start3A_324 : memref<1x125xi32, #tpu.memory_space<vmem>> -> memref<125xi32, #tpu.memory_space<vmem>>
      %dma_start3A_326 = arith.constant 0 : i32
      %dma_start3A_327 = tpu.memref_slice %arg2[%arg0, %dma_start3A_326] : memref<20000x64xf32, #tpu.memory_space<hbm>> -> memref<19999x64xf32, #tpu.memory_space<hbm>>
      %dma_start3A_328 = arith.constant 0 : i32
      %dma_start3A_329 = arith.constant 0 : i32
      %dma_start3A_330 = tpu.memref_slice %dma_start3A_327[%dma_start3A_328, %dma_start3A_329] : memref<19999x64xf32, #tpu.memory_space<hbm>> -> memref<19999x64xf32, #tpu.memory_space<hbm>>
      tpu.enqueue_indirect_dma source(%dma_start3A_330 : memref<19999x64xf32, #tpu.memory_space<hbm>>) target(%arg10 : memref<125x64xf32, #tpu.memory_space<vmem>>) offsets(%dma_start3A_325 : memref<125xi32, #tpu.memory_space<vmem>>) semaphore(%arg16 : memref<!tpu.dma_semaphore, #tpu.memory_space<semaphore_mem>>)
      %add3A_331 = arith.constant 3 : i32
      %add3A_332 = arith.addi %mul3A_181, %add3A_331 : i32
      %dma_wait3A_333 = arith.constant 0 : i32
      %dma_wait3A_334 = tpu.memref_slice %arg7[%add3A_332, %dma_wait3A_333] : memref<160x125xi32, #tpu.memory_space<vmem>> -> memref<1x125xi32, #tpu.memory_space<vmem>>
      %dma_wait3A_335 = tpu.memref_squeeze %dma_wait3A_334 : memref<1x125xi32, #tpu.memory_space<vmem>> -> memref<125xi32, #tpu.memory_space<vmem>>
      %dma_wait3A_336 = arith.constant 0 : i32
      %dma_wait3A_337 = arith.constant 0 : i32
      %dma_wait3A_338 = tpu.memref_slice %arg13[%dma_wait3A_336, %dma_wait3A_337] : memref<10000x64xf32, #tpu.memory_space<vmem_shared>> -> memref<10000x64xf32, #tpu.memory_space<vmem_shared>>
      tpu.wait_indirect_dma semaphore(%arg22 : memref<!tpu.dma_semaphore, #tpu.memory_space<semaphore_mem>>) src(%arg11 : memref<125x64xf32, #tpu.memory_space<vmem>>) dst(%dma_wait3A_338 : memref<10000x64xf32, #tpu.memory_space<vmem_shared>>)
      %add3A_339 = arith.constant 5 : i32
      %add3A_340 = arith.addi %mul3A_181, %add3A_339 : i32
      %add3A_341 = arith.constant 3 : i32
      %add3A_342 = arith.addi %add3A_340, %add3A_341 : i32
      %dma_start3A_343 = arith.constant 0 : i32
      %dma_start3A_344 = tpu.memref_slice %arg6[%add3A_342, %dma_start3A_343] : memref<160x125xi32, #tpu.memory_space<vmem>> -> memref<1x125xi32, #tpu.memory_space<vmem>>
      %dma_start3A_345 = tpu.memref_squeeze %dma_start3A_344 : memref<1x125xi32, #tpu.memory_space<vmem>> -> memref<125xi32, #tpu.memory_space<vmem>>
      %dma_start3A_346 = arith.constant 0 : i32
      %dma_start3A_347 = tpu.memref_slice %arg2[%arg0, %dma_start3A_346] : memref<20000x64xf32, #tpu.memory_space<hbm>> -> memref<19999x64xf32, #tpu.memory_space<hbm>>
      %dma_start3A_348 = arith.constant 0 : i32
      %dma_start3A_349 = arith.constant 0 : i32
      %dma_start3A_350 = tpu.memref_slice %dma_start3A_347[%dma_start3A_348, %dma_start3A_349] : memref<19999x64xf32, #tpu.memory_space<hbm>> -> memref<19999x64xf32, #tpu.memory_space<hbm>>
      tpu.enqueue_indirect_dma source(%dma_start3A_350 : memref<19999x64xf32, #tpu.memory_space<hbm>>) target(%arg11 : memref<125x64xf32, #tpu.memory_space<vmem>>) offsets(%dma_start3A_345 : memref<125xi32, #tpu.memory_space<vmem>>) semaphore(%arg17 : memref<!tpu.dma_semaphore, #tpu.memory_space<semaphore_mem>>)
      %add3A_351 = arith.constant 4 : i32
      %add3A_352 = arith.addi %mul3A_181, %add3A_351 : i32
      %dma_wait3A_353 = arith.constant 0 : i32
      %dma_wait3A_354 = tpu.memref_slice %arg7[%add3A_352, %dma_wait3A_353] : memref<160x125xi32, #tpu.memory_space<vmem>> -> memref<1x125xi32, #tpu.memory_space<vmem>>
      %dma_wait3A_355 = tpu.memref_squeeze %dma_wait3A_354 : memref<1x125xi32, #tpu.memory_space<vmem>> -> memref<125xi32, #tpu.memory_space<vmem>>
      %dma_wait3A_356 = arith.constant 0 : i32
      %dma_wait3A_357 = arith.constant 0 : i32
      %dma_wait3A_358 = tpu.memref_slice %arg13[%dma_wait3A_356, %dma_wait3A_357] : memref<10000x64xf32, #tpu.memory_space<vmem_shared>> -> memref<10000x64xf32, #tpu.memory_space<vmem_shared>>
      tpu.wait_indirect_dma semaphore(%arg23 : memref<!tpu.dma_semaphore, #tpu.memory_space<semaphore_mem>>) src(%arg12 : memref<125x64xf32, #tpu.memory_space<vmem>>) dst(%dma_wait3A_358 : memref<10000x64xf32, #tpu.memory_space<vmem_shared>>)
      %add3A_359 = arith.constant 5 : i32
      %add3A_360 = arith.addi %mul3A_181, %add3A_359 : i32
      %add3A_361 = arith.constant 4 : i32
      %add3A_362 = arith.addi %add3A_360, %add3A_361 : i32
      %dma_start3A_363 = arith.constant 0 : i32
      %dma_start3A_364 = tpu.memref_slice %arg6[%add3A_362, %dma_start3A_363] : memref<160x125xi32, #tpu.memory_space<vmem>> -> memref<1x125xi32, #tpu.memory_space<vmem>>
      %dma_start3A_365 = tpu.memref_squeeze %dma_start3A_364 : memref<1x125xi32, #tpu.memory_space<vmem>> -> memref<125xi32, #tpu.memory_space<vmem>>
      %dma_start3A_366 = arith.constant 0 : i32
      %dma_start3A_367 = tpu.memref_slice %arg2[%arg0, %dma_start3A_366] : memref<20000x64xf32, #tpu.memory_space<hbm>> -> memref<19999x64xf32, #tpu.memory_space<hbm>>
      %dma_start3A_368 = arith.constant 0 : i32
      %dma_start3A_369 = arith.constant 0 : i32
      %dma_start3A_370 = tpu.memref_slice %dma_start3A_367[%dma_start3A_368, %dma_start3A_369] : memref<19999x64xf32, #tpu.memory_space<hbm>> -> memref<19999x64xf32, #tpu.memory_space<hbm>>
      tpu.enqueue_indirect_dma source(%dma_start3A_370 : memref<19999x64xf32, #tpu.memory_space<hbm>>) target(%arg12 : memref<125x64xf32, #tpu.memory_space<vmem>>) offsets(%dma_start3A_365 : memref<125xi32, #tpu.memory_space<vmem>>) semaphore(%arg18 : memref<!tpu.dma_semaphore, #tpu.memory_space<semaphore_mem>>)
    }
    %scan3A_57 = arith.constant 31 : i32
    %dma_wait3A_58 = arith.constant 155 : i32
    %dma_wait3A_59 = arith.constant 0 : i32
    %dma_wait3A_60 = tpu.memref_slice %arg6[%dma_wait3A_58, %dma_wait3A_59] : memref<160x125xi32, #tpu.memory_space<vmem>> -> memref<1x125xi32, #tpu.memory_space<vmem>>
    %dma_wait3A_61 = tpu.memref_squeeze %dma_wait3A_60 : memref<1x125xi32, #tpu.memory_space<vmem>> -> memref<125xi32, #tpu.memory_space<vmem>>
    %dma_wait3A_62 = arith.constant 0 : i32
    %dma_wait3A_63 = tpu.memref_slice %arg2[%arg0, %dma_wait3A_62] : memref<20000x64xf32, #tpu.memory_space<hbm>> -> memref<19999x64xf32, #tpu.memory_space<hbm>>
    %dma_wait3A_64 = arith.constant 0 : i32
    %dma_wait3A_65 = arith.constant 0 : i32
    %dma_wait3A_66 = tpu.memref_slice %dma_wait3A_63[%dma_wait3A_64, %dma_wait3A_65] : memref<19999x64xf32, #tpu.memory_space<hbm>> -> memref<19999x64xf32, #tpu.memory_space<hbm>>
    tpu.wait_indirect_dma semaphore(%arg14 : memref<!tpu.dma_semaphore, #tpu.memory_space<semaphore_mem>>) src(%dma_wait3A_66 : memref<19999x64xf32, #tpu.memory_space<hbm>>) dst(%arg8 : memref<125x64xf32, #tpu.memory_space<vmem>>)
    %dma_start3A_67 = arith.constant 155 : i32
    %dma_start3A_68 = arith.constant 0 : i32
    %dma_start3A_69 = tpu.memref_slice %arg7[%dma_start3A_67, %dma_start3A_68] : memref<160x125xi32, #tpu.memory_space<vmem>> -> memref<1x125xi32, #tpu.memory_space<vmem>>
    %dma_start3A_70 = tpu.memref_squeeze %dma_start3A_69 : memref<1x125xi32, #tpu.memory_space<vmem>> -> memref<125xi32, #tpu.memory_space<vmem>>
    %dma_start3A_71 = arith.constant 0 : i32
    %dma_start3A_72 = arith.constant 0 : i32
    %dma_start3A_73 = tpu.memref_slice %arg13[%dma_start3A_71, %dma_start3A_72] : memref<10000x64xf32, #tpu.memory_space<vmem_shared>> -> memref<10000x64xf32, #tpu.memory_space<vmem_shared>>
    tpu.enqueue_indirect_dma source(%arg8 : memref<125x64xf32, #tpu.memory_space<vmem>>) target(%dma_start3A_73 : memref<10000x64xf32, #tpu.memory_space<vmem_shared>>) offsets(%dma_start3A_70 : memref<125xi32, #tpu.memory_space<vmem>>) semaphore(%arg19 : memref<!tpu.dma_semaphore, #tpu.memory_space<semaphore_mem>>) {add = true}
    %dma_wait3A_74 = arith.constant 156 : i32
    %dma_wait3A_75 = arith.constant 0 : i32
    %dma_wait3A_76 = tpu.memref_slice %arg6[%dma_wait3A_74, %dma_wait3A_75] : memref<160x125xi32, #tpu.memory_space<vmem>> -> memref<1x125xi32, #tpu.memory_space<vmem>>
    %dma_wait3A_77 = tpu.memref_squeeze %dma_wait3A_76 : memref<1x125xi32, #tpu.memory_space<vmem>> -> memref<125xi32, #tpu.memory_space<vmem>>
    %dma_wait3A_78 = arith.constant 0 : i32
    %dma_wait3A_79 = tpu.memref_slice %arg2[%arg0, %dma_wait3A_78] : memref<20000x64xf32, #tpu.memory_space<hbm>> -> memref<19999x64xf32, #tpu.memory_space<hbm>>
    %dma_wait3A_80 = arith.constant 0 : i32
    %dma_wait3A_81 = arith.constant 0 : i32
    %dma_wait3A_82 = tpu.memref_slice %dma_wait3A_79[%dma_wait3A_80, %dma_wait3A_81] : memref<19999x64xf32, #tpu.memory_space<hbm>> -> memref<19999x64xf32, #tpu.memory_space<hbm>>
    tpu.wait_indirect_dma semaphore(%arg15 : memref<!tpu.dma_semaphore, #tpu.memory_space<semaphore_mem>>) src(%dma_wait3A_82 : memref<19999x64xf32, #tpu.memory_space<hbm>>) dst(%arg9 : memref<125x64xf32, #tpu.memory_space<vmem>>)
    %dma_start3A_83 = arith.constant 156 : i32
    %dma_start3A_84 = arith.constant 0 : i32
    %dma_start3A_85 = tpu.memref_slice %arg7[%dma_start3A_83, %dma_start3A_84] : memref<160x125xi32, #tpu.memory_space<vmem>> -> memref<1x125xi32, #tpu.memory_space<vmem>>
    %dma_start3A_86 = tpu.memref_squeeze %dma_start3A_85 : memref<1x125xi32, #tpu.memory_space<vmem>> -> memref<125xi32, #tpu.memory_space<vmem>>
    %dma_start3A_87 = arith.constant 0 : i32
    %dma_start3A_88 = arith.constant 0 : i32
    %dma_start3A_89 = tpu.memref_slice %arg13[%dma_start3A_87, %dma_start3A_88] : memref<10000x64xf32, #tpu.memory_space<vmem_shared>> -> memref<10000x64xf32, #tpu.memory_space<vmem_shared>>
    tpu.enqueue_indirect_dma source(%arg9 : memref<125x64xf32, #tpu.memory_space<vmem>>) target(%dma_start3A_89 : memref<10000x64xf32, #tpu.memory_space<vmem_shared>>) offsets(%dma_start3A_86 : memref<125xi32, #tpu.memory_space<vmem>>) semaphore(%arg20 : memref<!tpu.dma_semaphore, #tpu.memory_space<semaphore_mem>>) {add = true}
    %dma_wait3A_90 = arith.constant 157 : i32
    %dma_wait3A_91 = arith.constant 0 : i32
    %dma_wait3A_92 = tpu.memref_slice %arg6[%dma_wait3A_90, %dma_wait3A_91] : memref<160x125xi32, #tpu.memory_space<vmem>> -> memref<1x125xi32, #tpu.memory_space<vmem>>
    %dma_wait3A_93 = tpu.memref_squeeze %dma_wait3A_92 : memref<1x125xi32, #tpu.memory_space<vmem>> -> memref<125xi32, #tpu.memory_space<vmem>>
    %dma_wait3A_94 = arith.constant 0 : i32
    %dma_wait3A_95 = tpu.memref_slice %arg2[%arg0, %dma_wait3A_94] : memref<20000x64xf32, #tpu.memory_space<hbm>> -> memref<19999x64xf32, #tpu.memory_space<hbm>>
    %dma_wait3A_96 = arith.constant 0 : i32
    %dma_wait3A_97 = arith.constant 0 : i32
    %dma_wait3A_98 = tpu.memref_slice %dma_wait3A_95[%dma_wait3A_96, %dma_wait3A_97] : memref<19999x64xf32, #tpu.memory_space<hbm>> -> memref<19999x64xf32, #tpu.memory_space<hbm>>
    tpu.wait_indirect_dma semaphore(%arg16 : memref<!tpu.dma_semaphore, #tpu.memory_space<semaphore_mem>>) src(%dma_wait3A_98 : memref<19999x64xf32, #tpu.memory_space<hbm>>) dst(%arg10 : memref<125x64xf32, #tpu.memory_space<vmem>>)
    %dma_start3A_99 = arith.constant 157 : i32
    %dma_start3A_100 = arith.constant 0 : i32
    %dma_start3A_101 = tpu.memref_slice %arg7[%dma_start3A_99, %dma_start3A_100] : memref<160x125xi32, #tpu.memory_space<vmem>> -> memref<1x125xi32, #tpu.memory_space<vmem>>
    %dma_start3A_102 = tpu.memref_squeeze %dma_start3A_101 : memref<1x125xi32, #tpu.memory_space<vmem>> -> memref<125xi32, #tpu.memory_space<vmem>>
    %dma_start3A_103 = arith.constant 0 : i32
    %dma_start3A_104 = arith.constant 0 : i32
    %dma_start3A_105 = tpu.memref_slice %arg13[%dma_start3A_103, %dma_start3A_104] : memref<10000x64xf32, #tpu.memory_space<vmem_shared>> -> memref<10000x64xf32, #tpu.memory_space<vmem_shared>>
    tpu.enqueue_indirect_dma source(%arg10 : memref<125x64xf32, #tpu.memory_space<vmem>>) target(%dma_start3A_105 : memref<10000x64xf32, #tpu.memory_space<vmem_shared>>) offsets(%dma_start3A_102 : memref<125xi32, #tpu.memory_space<vmem>>) semaphore(%arg21 : memref<!tpu.dma_semaphore, #tpu.memory_space<semaphore_mem>>) {add = true}
    %dma_wait3A_106 = arith.constant 158 : i32
    %dma_wait3A_107 = arith.constant 0 : i32
    %dma_wait3A_108 = tpu.memref_slice %arg6[%dma_wait3A_106, %dma_wait3A_107] : memref<160x125xi32, #tpu.memory_space<vmem>> -> memref<1x125xi32, #tpu.memory_space<vmem>>
    %dma_wait3A_109 = tpu.memref_squeeze %dma_wait3A_108 : memref<1x125xi32, #tpu.memory_space<vmem>> -> memref<125xi32, #tpu.memory_space<vmem>>
    %dma_wait3A_110 = arith.constant 0 : i32
    %dma_wait3A_111 = tpu.memref_slice %arg2[%arg0, %dma_wait3A_110] : memref<20000x64xf32, #tpu.memory_space<hbm>> -> memref<19999x64xf32, #tpu.memory_space<hbm>>
    %dma_wait3A_112 = arith.constant 0 : i32
    %dma_wait3A_113 = arith.constant 0 : i32
    %dma_wait3A_114 = tpu.memref_slice %dma_wait3A_111[%dma_wait3A_112, %dma_wait3A_113] : memref<19999x64xf32, #tpu.memory_space<hbm>> -> memref<19999x64xf32, #tpu.memory_space<hbm>>
    tpu.wait_indirect_dma semaphore(%arg17 : memref<!tpu.dma_semaphore, #tpu.memory_space<semaphore_mem>>) src(%dma_wait3A_114 : memref<19999x64xf32, #tpu.memory_space<hbm>>) dst(%arg11 : memref<125x64xf32, #tpu.memory_space<vmem>>)
    %dma_start3A_115 = arith.constant 158 : i32
    %dma_start3A_116 = arith.constant 0 : i32
    %dma_start3A_117 = tpu.memref_slice %arg7[%dma_start3A_115, %dma_start3A_116] : memref<160x125xi32, #tpu.memory_space<vmem>> -> memref<1x125xi32, #tpu.memory_space<vmem>>
    %dma_start3A_118 = tpu.memref_squeeze %dma_start3A_117 : memref<1x125xi32, #tpu.memory_space<vmem>> -> memref<125xi32, #tpu.memory_space<vmem>>
    %dma_start3A_119 = arith.constant 0 : i32
    %dma_start3A_120 = arith.constant 0 : i32
    %dma_start3A_121 = tpu.memref_slice %arg13[%dma_start3A_119, %dma_start3A_120] : memref<10000x64xf32, #tpu.memory_space<vmem_shared>> -> memref<10000x64xf32, #tpu.memory_space<vmem_shared>>
    tpu.enqueue_indirect_dma source(%arg11 : memref<125x64xf32, #tpu.memory_space<vmem>>) target(%dma_start3A_121 : memref<10000x64xf32, #tpu.memory_space<vmem_shared>>) offsets(%dma_start3A_118 : memref<125xi32, #tpu.memory_space<vmem>>) semaphore(%arg22 : memref<!tpu.dma_semaphore, #tpu.memory_space<semaphore_mem>>) {add = true}
    %dma_wait3A_122 = arith.constant 159 : i32
    %dma_wait3A_123 = arith.constant 0 : i32
    %dma_wait3A_124 = tpu.memref_slice %arg6[%dma_wait3A_122, %dma_wait3A_123] : memref<160x125xi32, #tpu.memory_space<vmem>> -> memref<1x125xi32, #tpu.memory_space<vmem>>
    %dma_wait3A_125 = tpu.memref_squeeze %dma_wait3A_124 : memref<1x125xi32, #tpu.memory_space<vmem>> -> memref<125xi32, #tpu.memory_space<vmem>>
    %dma_wait3A_126 = arith.constant 0 : i32
    %dma_wait3A_127 = tpu.memref_slice %arg2[%arg0, %dma_wait3A_126] : memref<20000x64xf32, #tpu.memory_space<hbm>> -> memref<19999x64xf32, #tpu.memory_space<hbm>>
    %dma_wait3A_128 = arith.constant 0 : i32
    %dma_wait3A_129 = arith.constant 0 : i32
    %dma_wait3A_130 = tpu.memref_slice %dma_wait3A_127[%dma_wait3A_128, %dma_wait3A_129] : memref<19999x64xf32, #tpu.memory_space<hbm>> -> memref<19999x64xf32, #tpu.memory_space<hbm>>
    tpu.wait_indirect_dma semaphore(%arg18 : memref<!tpu.dma_semaphore, #tpu.memory_space<semaphore_mem>>) src(%dma_wait3A_130 : memref<19999x64xf32, #tpu.memory_space<hbm>>) dst(%arg12 : memref<125x64xf32, #tpu.memory_space<vmem>>)
    %dma_start3A_131 = arith.constant 159 : i32
    %dma_start3A_132 = arith.constant 0 : i32
    %dma_start3A_133 = tpu.memref_slice %arg7[%dma_start3A_131, %dma_start3A_132] : memref<160x125xi32, #tpu.memory_space<vmem>> -> memref<1x125xi32, #tpu.memory_space<vmem>>
    %dma_start3A_134 = tpu.memref_squeeze %dma_start3A_133 : memref<1x125xi32, #tpu.memory_space<vmem>> -> memref<125xi32, #tpu.memory_space<vmem>>
    %dma_start3A_135 = arith.constant 0 : i32
    %dma_start3A_136 = arith.constant 0 : i32
    %dma_start3A_137 = tpu.memref_slice %arg13[%dma_start3A_135, %dma_start3A_136] : memref<10000x64xf32, #tpu.memory_space<vmem_shared>> -> memref<10000x64xf32, #tpu.memory_space<vmem_shared>>
    tpu.enqueue_indirect_dma source(%arg12 : memref<125x64xf32, #tpu.memory_space<vmem>>) target(%dma_start3A_137 : memref<10000x64xf32, #tpu.memory_space<vmem_shared>>) offsets(%dma_start3A_134 : memref<125xi32, #tpu.memory_space<vmem>>) semaphore(%arg23 : memref<!tpu.dma_semaphore, #tpu.memory_space<semaphore_mem>>) {add = true}
    %dma_wait3A_138 = arith.constant 155 : i32
    %dma_wait3A_139 = arith.constant 0 : i32
    %dma_wait3A_140 = tpu.memref_slice %arg7[%dma_wait3A_138, %dma_wait3A_139] : memref<160x125xi32, #tpu.memory_space<vmem>> -> memref<1x125xi32, #tpu.memory_space<vmem>>
    %dma_wait3A_141 = tpu.memref_squeeze %dma_wait3A_140 : memref<1x125xi32, #tpu.memory_space<vmem>> -> memref<125xi32, #tpu.memory_space<vmem>>
    %dma_wait3A_142 = arith.constant 0 : i32
    %dma_wait3A_143 = arith.constant 0 : i32
    %dma_wait3A_144 = tpu.memref_slice %arg13[%dma_wait3A_142, %dma_wait3A_143] : memref<10000x64xf32, #tpu.memory_space<vmem_shared>> -> memref<10000x64xf32, #tpu.memory_space<vmem_shared>>
    tpu.wait_indirect_dma semaphore(%arg19 : memref<!tpu.dma_semaphore, #tpu.memory_space<semaphore_mem>>) src(%arg8 : memref<125x64xf32, #tpu.memory_space<vmem>>) dst(%dma_wait3A_144 : memref<10000x64xf32, #tpu.memory_space<vmem_shared>>)
    %dma_wait3A_145 = arith.constant 156 : i32
    %dma_wait3A_146 = arith.constant 0 : i32
    %dma_wait3A_147 = tpu.memref_slice %arg7[%dma_wait3A_145, %dma_wait3A_146] : memref<160x125xi32, #tpu.memory_space<vmem>> -> memref<1x125xi32, #tpu.memory_space<vmem>>
    %dma_wait3A_148 = tpu.memref_squeeze %dma_wait3A_147 : memref<1x125xi32, #tpu.memory_space<vmem>> -> memref<125xi32, #tpu.memory_space<vmem>>
    %dma_wait3A_149 = arith.constant 0 : i32
    %dma_wait3A_150 = arith.constant 0 : i32
    %dma_wait3A_151 = tpu.memref_slice %arg13[%dma_wait3A_149, %dma_wait3A_150] : memref<10000x64xf32, #tpu.memory_space<vmem_shared>> -> memref<10000x64xf32, #tpu.memory_space<vmem_shared>>
    tpu.wait_indirect_dma semaphore(%arg20 : memref<!tpu.dma_semaphore, #tpu.memory_space<semaphore_mem>>) src(%arg9 : memref<125x64xf32, #tpu.memory_space<vmem>>) dst(%dma_wait3A_151 : memref<10000x64xf32, #tpu.memory_space<vmem_shared>>)
    %dma_wait3A_152 = arith.constant 157 : i32
    %dma_wait3A_153 = arith.constant 0 : i32
    %dma_wait3A_154 = tpu.memref_slice %arg7[%dma_wait3A_152, %dma_wait3A_153] : memref<160x125xi32, #tpu.memory_space<vmem>> -> memref<1x125xi32, #tpu.memory_space<vmem>>
    %dma_wait3A_155 = tpu.memref_squeeze %dma_wait3A_154 : memref<1x125xi32, #tpu.memory_space<vmem>> -> memref<125xi32, #tpu.memory_space<vmem>>
    %dma_wait3A_156 = arith.constant 0 : i32
    %dma_wait3A_157 = arith.constant 0 : i32
    %dma_wait3A_158 = tpu.memref_slice %arg13[%dma_wait3A_156, %dma_wait3A_157] : memref<10000x64xf32, #tpu.memory_space<vmem_shared>> -> memref<10000x64xf32, #tpu.memory_space<vmem_shared>>
    tpu.wait_indirect_dma semaphore(%arg21 : memref<!tpu.dma_semaphore, #tpu.memory_space<semaphore_mem>>) src(%arg10 : memref<125x64xf32, #tpu.memory_space<vmem>>) dst(%dma_wait3A_158 : memref<10000x64xf32, #tpu.memory_space<vmem_shared>>)
    %dma_wait3A_159 = arith.constant 158 : i32
    %dma_wait3A_160 = arith.constant 0 : i32
    %dma_wait3A_161 = tpu.memref_slice %arg7[%dma_wait3A_159, %dma_wait3A_160] : memref<160x125xi32, #tpu.memory_space<vmem>> -> memref<1x125xi32, #tpu.memory_space<vmem>>
    %dma_wait3A_162 = tpu.memref_squeeze %dma_wait3A_161 : memref<1x125xi32, #tpu.memory_space<vmem>> -> memref<125xi32, #tpu.memory_space<vmem>>
    %dma_wait3A_163 = arith.constant 0 : i32
    %dma_wait3A_164 = arith.constant 0 : i32
    %dma_wait3A_165 = tpu.memref_slice %arg13[%dma_wait3A_163, %dma_wait3A_164] : memref<10000x64xf32, #tpu.memory_space<vmem_shared>> -> memref<10000x64xf32, #tpu.memory_space<vmem_shared>>
    tpu.wait_indirect_dma semaphore(%arg22 : memref<!tpu.dma_semaphore, #tpu.memory_space<semaphore_mem>>) src(%arg11 : memref<125x64xf32, #tpu.memory_space<vmem>>) dst(%dma_wait3A_165 : memref<10000x64xf32, #tpu.memory_space<vmem_shared>>)
    %dma_wait3A_166 = arith.constant 159 : i32
    %dma_wait3A_167 = arith.constant 0 : i32
    %dma_wait3A_168 = tpu.memref_slice %arg7[%dma_wait3A_166, %dma_wait3A_167] : memref<160x125xi32, #tpu.memory_space<vmem>> -> memref<1x125xi32, #tpu.memory_space<vmem>>
    %dma_wait3A_169 = tpu.memref_squeeze %dma_wait3A_168 : memref<1x125xi32, #tpu.memory_space<vmem>> -> memref<125xi32, #tpu.memory_space<vmem>>
    %dma_wait3A_170 = arith.constant 0 : i32
    %dma_wait3A_171 = arith.constant 0 : i32
    %dma_wait3A_172 = tpu.memref_slice %arg13[%dma_wait3A_170, %dma_wait3A_171] : memref<10000x64xf32, #tpu.memory_space<vmem_shared>> -> memref<10000x64xf32, #tpu.memory_space<vmem_shared>>
    tpu.wait_indirect_dma semaphore(%arg23 : memref<!tpu.dma_semaphore, #tpu.memory_space<semaphore_mem>>) src(%arg12 : memref<125x64xf32, #tpu.memory_space<vmem>>) dst(%dma_wait3A_172 : memref<10000x64xf32, #tpu.memory_space<vmem_shared>>)
    %barrier3A_173 = arith.constant 0 : index
    tpu.barrier barrier_id(%barrier3A_173)
    %barrier3A_174 = arith.constant 0 : index
    tpu.barrier barrier_id(%barrier3A_174)
    %mul3A_175 = arith.constant 625 : i32
    %mul3A_176 = arith.muli %arg1, %mul3A_175 : i32
    %mul3A_177 = arith.constant 64 : i32
    %mul3A_178 = arith.muli %arg0, %mul3A_177 : i32
    "tpu.region"() ({
      %run_scoped3A_179 = tpu.sem_alloc : memref<!tpu.dma_semaphore, #tpu.memory_space<semaphore_mem>>
      %dma_start3A_180 = tpu.memref_slice %arg5[%mul3A_176, %mul3A_178] : memref<10000x128xf32, #tpu.memory_space<hbm>> -> memref<625x64xf32, #tpu.memory_space<hbm>>
      %dma_start3A_181 = arith.constant 0 : i32
      %dma_start3A_182 = tpu.memref_slice %arg13[%mul3A_176, %dma_start3A_181] : memref<10000x64xf32, #tpu.memory_space<vmem_shared>> -> memref<625x64xf32, #tpu.memory_space<vmem_shared>>
      tpu.enqueue_dma source(%dma_start3A_182 : memref<625x64xf32, #tpu.memory_space<vmem_shared>>) target(%dma_start3A_180 : memref<625x64xf32, #tpu.memory_space<hbm>>) target_semaphore(%run_scoped3A_179 : memref<!tpu.dma_semaphore, #tpu.memory_space<semaphore_mem>>)
      %dma_wait3A_183 = tpu.memref_slice %arg5[%mul3A_176, %mul3A_178] : memref<10000x128xf32, #tpu.memory_space<hbm>> -> memref<625x64xf32, #tpu.memory_space<hbm>>
      %dma_wait3A_184 = arith.constant 0 : i32
      %dma_wait3A_185 = tpu.memref_slice %arg13[%mul3A_176, %dma_wait3A_184] : memref<10000x64xf32, #tpu.memory_space<vmem_shared>> -> memref<625x64xf32, #tpu.memory_space<vmem_shared>>
      tpu.wait_dma2 semaphore(%run_scoped3A_179 : memref<!tpu.dma_semaphore, #tpu.memory_space<semaphore_mem>>) src(%dma_wait3A_185 : memref<625x64xf32, #tpu.memory_space<vmem_shared>>) dst(%dma_wait3A_183 : memref<625x64xf32, #tpu.memory_space<hbm>>)
      tpu.yield
    }) : () -> ()
    return
  }
}

module attributes {stable_mosaic.version = 14 : i64} {
  func.func @_layer_body(%arg0: memref<10000x128xf32, #tpu.memory_space<vmem>>, %arg1: memref<10000x128xf32, #tpu.memory_space<vmem>>, %arg2: memref<1x1xf32, #tpu.memory_space<smem>>, %arg3: memref<128x128xf32, #tpu.memory_space<vmem>>, %arg4: memref<1x128xf32, #tpu.memory_space<vmem>>, %arg5: memref<128x128xf32, #tpu.memory_space<vmem>>, %arg6: memref<1x128xf32, #tpu.memory_space<vmem>>, %arg7: memref<1x128xf32, #tpu.memory_space<vmem>>, %arg8: memref<1x128xf32, #tpu.memory_space<vmem>>, %arg9: memref<10000x128xf32, #tpu.memory_space<vmem>>) attributes {dimension_semantics = [], scalar_prefetch = 0 : i64, scratch_operands = 0 : i64, tpu.core_type = #tpu.core_type<tc>} {
    %get3A = arith.constant 0 : index
    %get3A_0 = arith.constant 0 : index
    %get3A_1 = memref.load %arg2[%get3A, %get3A_0] : memref<1x1xf32, #tpu.memory_space<smem>>
    %get3A_2 = arith.constant 0 : index
    %get3A_3 = arith.constant 0 : index
    %get3A_4 = vector.load %arg0[%get3A_2, %get3A_3] : memref<10000x128xf32, #tpu.memory_space<vmem>>, vector<10000x128xf32>
    %mul3A = vector.broadcast %get3A_1 : f32 to vector<10000x128xf32>
    %mul3A_5 = arith.mulf %mul3A, %get3A_4 : vector<10000x128xf32>
    %get3A_6 = arith.constant 0 : index
    %get3A_7 = arith.constant 0 : index
    %get3A_8 = vector.load %arg1[%get3A_6, %get3A_7] : memref<10000x128xf32, #tpu.memory_space<vmem>>, vector<10000x128xf32>
    %add3A = arith.addf %mul3A_5, %get3A_8 : vector<10000x128xf32>
    %get3A_9 = arith.constant 0 : index
    %get3A_10 = arith.constant 0 : index
    %get3A_11 = vector.load %arg3[%get3A_9, %get3A_10] : memref<128x128xf32, #tpu.memory_space<vmem>>, vector<128x128xf32>
    %dot_general3A = arith.constant dense<0.000000e+00> : vector<10000x128xf32>
    %dot_general3A_12 = tpu.matmul %add3A, %get3A_11, %dot_general3A {dimension_numbers = #tpu.dot_dimension_numbers<[1], [0], [0], [1], [0, 0, 1, 1], [], []>, transpose_lhs_hint = false} : vector<10000x128xf32>, vector<128x128xf32>, vector<10000x128xf32> -> vector<10000x128xf32>
    %get3A_13 = arith.constant 0 : index
    %get3A_14 = arith.constant 0 : index
    %get3A_15 = vector.load %arg4[%get3A_13, %get3A_14] : memref<1x128xf32, #tpu.memory_space<vmem>>, vector<1x128xf32>
    %add3A_16 = vector.broadcast %get3A_15 : vector<1x128xf32> to vector<10000x128xf32>
    %add3A_17 = arith.addf %dot_general3A_12, %add3A_16 : vector<10000x128xf32>
    %max3A = arith.constant 0.000000e+00 : f32
    %max3A_18 = vector.broadcast %max3A : f32 to vector<10000x128xf32>
    %max3A_19 = arith.maximumf %add3A_17, %max3A_18 : vector<10000x128xf32>
    %get3A_20 = arith.constant 0 : index
    %get3A_21 = arith.constant 0 : index
    %get3A_22 = vector.load %arg5[%get3A_20, %get3A_21] : memref<128x128xf32, #tpu.memory_space<vmem>>, vector<128x128xf32>
    %dot_general3A_23 = arith.constant dense<0.000000e+00> : vector<10000x128xf32>
    %dot_general3A_24 = tpu.matmul %max3A_19, %get3A_22, %dot_general3A_23 {dimension_numbers = #tpu.dot_dimension_numbers<[1], [0], [0], [1], [0, 0, 1, 1], [], []>, transpose_lhs_hint = false} : vector<10000x128xf32>, vector<128x128xf32>, vector<10000x128xf32> -> vector<10000x128xf32>
    %get3A_25 = arith.constant 0 : index
    %get3A_26 = arith.constant 0 : index
    %get3A_27 = vector.load %arg6[%get3A_25, %get3A_26] : memref<1x128xf32, #tpu.memory_space<vmem>>, vector<1x128xf32>
    %add3A_28 = vector.broadcast %get3A_27 : vector<1x128xf32> to vector<10000x128xf32>
    %add3A_29 = arith.addf %dot_general3A_24, %add3A_28 : vector<10000x128xf32>
    %max3A_30 = arith.constant 0.000000e+00 : f32
    %max3A_31 = vector.broadcast %max3A_30 : f32 to vector<10000x128xf32>
    %max3A_32 = arith.maximumf %add3A_29, %max3A_31 : vector<10000x128xf32>
    %reduce_sum3A = arith.constant dense<0.000000e+00> : vector<128xf32>
    %reduce_sum3A_33 = vector.multi_reduction <add>, %max3A_32, %reduce_sum3A [0] : vector<10000x128xf32> to vector<128xf32>
    %broadcast_in_dim3A = vector.shape_cast %reduce_sum3A_33 : vector<128xf32> to vector<1x128xf32>
    %div3A = arith.constant 1.000000e+04 : f32
    %div3A_34 = vector.broadcast %div3A : f32 to vector<1x128xf32>
    %div3A_35 = arith.divf %broadcast_in_dim3A, %div3A_34 : vector<1x128xf32>
    %mul3A_36 = arith.mulf %max3A_32, %max3A_32 : vector<10000x128xf32>
    %reduce_sum3A_37 = arith.constant dense<0.000000e+00> : vector<128xf32>
    %reduce_sum3A_38 = vector.multi_reduction <add>, %mul3A_36, %reduce_sum3A_37 [0] : vector<10000x128xf32> to vector<128xf32>
    %broadcast_in_dim3A_39 = vector.shape_cast %reduce_sum3A_38 : vector<128xf32> to vector<1x128xf32>
    %div3A_40 = arith.constant 1.000000e+04 : f32
    %div3A_41 = vector.broadcast %div3A_40 : f32 to vector<1x128xf32>
    %div3A_42 = arith.divf %broadcast_in_dim3A_39, %div3A_41 : vector<1x128xf32>
    %mul3A_43 = arith.mulf %div3A_35, %div3A_35 : vector<1x128xf32>
    %sub3A = arith.subf %div3A_42, %mul3A_43 : vector<1x128xf32>
    %add3A_44 = arith.constant 9.99999974E-6 : f32
    %add3A_45 = vector.broadcast %add3A_44 : f32 to vector<1x128xf32>
    %add3A_46 = arith.addf %sub3A, %add3A_45 : vector<1x128xf32>
    %rsqrt3A = math.rsqrt %add3A_46 : vector<1x128xf32>
    %get3A_47 = arith.constant 0 : index
    %get3A_48 = arith.constant 0 : index
    %get3A_49 = vector.load %arg7[%get3A_47, %get3A_48] : memref<1x128xf32, #tpu.memory_space<vmem>>, vector<1x128xf32>
    %sub3A_50 = vector.broadcast %div3A_35 : vector<1x128xf32> to vector<10000x128xf32>
    %sub3A_51 = arith.subf %max3A_32, %sub3A_50 : vector<10000x128xf32>
    %mul3A_52 = vector.broadcast %get3A_49 : vector<1x128xf32> to vector<10000x128xf32>
    %mul3A_53 = arith.mulf %mul3A_52, %sub3A_51 : vector<10000x128xf32>
    %mul3A_54 = vector.broadcast %rsqrt3A : vector<1x128xf32> to vector<10000x128xf32>
    %mul3A_55 = arith.mulf %mul3A_53, %mul3A_54 : vector<10000x128xf32>
    %get3A_56 = arith.constant 0 : index
    %get3A_57 = arith.constant 0 : index
    %get3A_58 = vector.load %arg8[%get3A_56, %get3A_57] : memref<1x128xf32, #tpu.memory_space<vmem>>, vector<1x128xf32>
    %add3A_59 = vector.broadcast %get3A_58 : vector<1x128xf32> to vector<10000x128xf32>
    %add3A_60 = arith.addf %mul3A_55, %add3A_59 : vector<10000x128xf32>
    %max3A_61 = arith.constant 0.000000e+00 : f32
    %max3A_62 = vector.broadcast %max3A_61 : f32 to vector<10000x128xf32>
    %max3A_63 = arith.maximumf %add3A_60, %max3A_62 : vector<10000x128xf32>
    %swap3A = arith.constant 0 : index
    %swap3A_64 = arith.constant 0 : index
    %swap3A_65 = vector.load %arg9[%swap3A, %swap3A_64] : memref<10000x128xf32, #tpu.memory_space<vmem>>, vector<10000x128xf32>
    tpu.vector_store %arg9[%swap3A, %swap3A_64], %max3A_63 {strides = array<i32>} : memref<10000x128xf32, #tpu.memory_space<vmem>>, vector<10000x128xf32>,
    return
  }
}

module attributes {stable_mosaic.version = 14 : i64} {
  func.func @_layer_out_body(%arg0: memref<10000x128xf32, #tpu.memory_space<vmem>>, %arg1: memref<10000x128xf32, #tpu.memory_space<vmem>>, %arg2: memref<1x1xf32, #tpu.memory_space<smem>>, %arg3: memref<128x128xf32, #tpu.memory_space<vmem>>, %arg4: memref<1x128xf32, #tpu.memory_space<vmem>>, %arg5: memref<128x128xf32, #tpu.memory_space<vmem>>, %arg6: memref<1x128xf32, #tpu.memory_space<vmem>>, %arg7: memref<1x128xf32, #tpu.memory_space<vmem>>, %arg8: memref<1x128xf32, #tpu.memory_space<vmem>>, %arg9: memref<128x64xf32, #tpu.memory_space<vmem>>, %arg10: memref<1x64xf32, #tpu.memory_space<vmem>>, %arg11: memref<10000x64xf32, #tpu.memory_space<vmem>>) attributes {dimension_semantics = [], scalar_prefetch = 0 : i64, scratch_operands = 0 : i64, tpu.core_type = #tpu.core_type<tc>} {
    %get3A = arith.constant 0 : index
    %get3A_0 = arith.constant 0 : index
    %get3A_1 = memref.load %arg2[%get3A, %get3A_0] : memref<1x1xf32, #tpu.memory_space<smem>>
    %get3A_2 = arith.constant 0 : index
    %get3A_3 = arith.constant 0 : index
    %get3A_4 = vector.load %arg0[%get3A_2, %get3A_3] : memref<10000x128xf32, #tpu.memory_space<vmem>>, vector<10000x128xf32>
    %mul3A = vector.broadcast %get3A_1 : f32 to vector<10000x128xf32>
    %mul3A_5 = arith.mulf %mul3A, %get3A_4 : vector<10000x128xf32>
    %get3A_6 = arith.constant 0 : index
    %get3A_7 = arith.constant 0 : index
    %get3A_8 = vector.load %arg1[%get3A_6, %get3A_7] : memref<10000x128xf32, #tpu.memory_space<vmem>>, vector<10000x128xf32>
    %add3A = arith.addf %mul3A_5, %get3A_8 : vector<10000x128xf32>
    %get3A_9 = arith.constant 0 : index
    %get3A_10 = arith.constant 0 : index
    %get3A_11 = vector.load %arg3[%get3A_9, %get3A_10] : memref<128x128xf32, #tpu.memory_space<vmem>>, vector<128x128xf32>
    %dot_general3A = arith.constant dense<0.000000e+00> : vector<10000x128xf32>
    %dot_general3A_12 = tpu.matmul %add3A, %get3A_11, %dot_general3A {dimension_numbers = #tpu.dot_dimension_numbers<[1], [0], [0], [1], [0, 0, 1, 1], [], []>, transpose_lhs_hint = false} : vector<10000x128xf32>, vector<128x128xf32>, vector<10000x128xf32> -> vector<10000x128xf32>
    %get3A_13 = arith.constant 0 : index
    %get3A_14 = arith.constant 0 : index
    %get3A_15 = vector.load %arg4[%get3A_13, %get3A_14] : memref<1x128xf32, #tpu.memory_space<vmem>>, vector<1x128xf32>
    %add3A_16 = vector.broadcast %get3A_15 : vector<1x128xf32> to vector<10000x128xf32>
    %add3A_17 = arith.addf %dot_general3A_12, %add3A_16 : vector<10000x128xf32>
    %max3A = arith.constant 0.000000e+00 : f32
    %max3A_18 = vector.broadcast %max3A : f32 to vector<10000x128xf32>
    %max3A_19 = arith.maximumf %add3A_17, %max3A_18 : vector<10000x128xf32>
    %get3A_20 = arith.constant 0 : index
    %get3A_21 = arith.constant 0 : index
    %get3A_22 = vector.load %arg5[%get3A_20, %get3A_21] : memref<128x128xf32, #tpu.memory_space<vmem>>, vector<128x128xf32>
    %dot_general3A_23 = arith.constant dense<0.000000e+00> : vector<10000x128xf32>
    %dot_general3A_24 = tpu.matmul %max3A_19, %get3A_22, %dot_general3A_23 {dimension_numbers = #tpu.dot_dimension_numbers<[1], [0], [0], [1], [0, 0, 1, 1], [], []>, transpose_lhs_hint = false} : vector<10000x128xf32>, vector<128x128xf32>, vector<10000x128xf32> -> vector<10000x128xf32>
    %get3A_25 = arith.constant 0 : index
    %get3A_26 = arith.constant 0 : index
    %get3A_27 = vector.load %arg6[%get3A_25, %get3A_26] : memref<1x128xf32, #tpu.memory_space<vmem>>, vector<1x128xf32>
    %add3A_28 = vector.broadcast %get3A_27 : vector<1x128xf32> to vector<10000x128xf32>
    %add3A_29 = arith.addf %dot_general3A_24, %add3A_28 : vector<10000x128xf32>
    %max3A_30 = arith.constant 0.000000e+00 : f32
    %max3A_31 = vector.broadcast %max3A_30 : f32 to vector<10000x128xf32>
    %max3A_32 = arith.maximumf %add3A_29, %max3A_31 : vector<10000x128xf32>
    %reduce_sum3A = arith.constant dense<0.000000e+00> : vector<128xf32>
    %reduce_sum3A_33 = vector.multi_reduction <add>, %max3A_32, %reduce_sum3A [0] : vector<10000x128xf32> to vector<128xf32>
    %broadcast_in_dim3A = vector.shape_cast %reduce_sum3A_33 : vector<128xf32> to vector<1x128xf32>
    %div3A = arith.constant 1.000000e+04 : f32
    %div3A_34 = vector.broadcast %div3A : f32 to vector<1x128xf32>
    %div3A_35 = arith.divf %broadcast_in_dim3A, %div3A_34 : vector<1x128xf32>
    %mul3A_36 = arith.mulf %max3A_32, %max3A_32 : vector<10000x128xf32>
    %reduce_sum3A_37 = arith.constant dense<0.000000e+00> : vector<128xf32>
    %reduce_sum3A_38 = vector.multi_reduction <add>, %mul3A_36, %reduce_sum3A_37 [0] : vector<10000x128xf32> to vector<128xf32>
    %broadcast_in_dim3A_39 = vector.shape_cast %reduce_sum3A_38 : vector<128xf32> to vector<1x128xf32>
    %div3A_40 = arith.constant 1.000000e+04 : f32
    %div3A_41 = vector.broadcast %div3A_40 : f32 to vector<1x128xf32>
    %div3A_42 = arith.divf %broadcast_in_dim3A_39, %div3A_41 : vector<1x128xf32>
    %mul3A_43 = arith.mulf %div3A_35, %div3A_35 : vector<1x128xf32>
    %sub3A = arith.subf %div3A_42, %mul3A_43 : vector<1x128xf32>
    %add3A_44 = arith.constant 9.99999974E-6 : f32
    %add3A_45 = vector.broadcast %add3A_44 : f32 to vector<1x128xf32>
    %add3A_46 = arith.addf %sub3A, %add3A_45 : vector<1x128xf32>
    %rsqrt3A = math.rsqrt %add3A_46 : vector<1x128xf32>
    %get3A_47 = arith.constant 0 : index
    %get3A_48 = arith.constant 0 : index
    %get3A_49 = vector.load %arg7[%get3A_47, %get3A_48] : memref<1x128xf32, #tpu.memory_space<vmem>>, vector<1x128xf32>
    %sub3A_50 = vector.broadcast %div3A_35 : vector<1x128xf32> to vector<10000x128xf32>
    %sub3A_51 = arith.subf %max3A_32, %sub3A_50 : vector<10000x128xf32>
    %mul3A_52 = vector.broadcast %get3A_49 : vector<1x128xf32> to vector<10000x128xf32>
    %mul3A_53 = arith.mulf %mul3A_52, %sub3A_51 : vector<10000x128xf32>
    %mul3A_54 = vector.broadcast %rsqrt3A : vector<1x128xf32> to vector<10000x128xf32>
    %mul3A_55 = arith.mulf %mul3A_53, %mul3A_54 : vector<10000x128xf32>
    %get3A_56 = arith.constant 0 : index
    %get3A_57 = arith.constant 0 : index
    %get3A_58 = vector.load %arg8[%get3A_56, %get3A_57] : memref<1x128xf32, #tpu.memory_space<vmem>>, vector<1x128xf32>
    %add3A_59 = vector.broadcast %get3A_58 : vector<1x128xf32> to vector<10000x128xf32>
    %add3A_60 = arith.addf %mul3A_55, %add3A_59 : vector<10000x128xf32>
    %max3A_61 = arith.constant 0.000000e+00 : f32
    %max3A_62 = vector.broadcast %max3A_61 : f32 to vector<10000x128xf32>
    %max3A_63 = arith.maximumf %add3A_60, %max3A_62 : vector<10000x128xf32>
    %get3A_64 = arith.constant 0 : index
    %get3A_65 = arith.constant 0 : index
    %get3A_66 = vector.load %arg9[%get3A_64, %get3A_65] : memref<128x64xf32, #tpu.memory_space<vmem>>, vector<128x64xf32>
    %dot_general3A_67 = arith.constant dense<0.000000e+00> : vector<10000x64xf32>
    %dot_general3A_68 = tpu.matmul %max3A_63, %get3A_66, %dot_general3A_67 {dimension_numbers = #tpu.dot_dimension_numbers<[1], [0], [0], [1], [0, 0, 1, 1], [], []>, transpose_lhs_hint = false} : vector<10000x128xf32>, vector<128x64xf32>, vector<10000x64xf32> -> vector<10000x64xf32>
    %get3A_69 = arith.constant 0 : index
    %get3A_70 = arith.constant 0 : index
    %get3A_71 = vector.load %arg10[%get3A_69, %get3A_70] : memref<1x64xf32, #tpu.memory_space<vmem>>, vector<1x64xf32>
    %add3A_72 = vector.broadcast %get3A_71 : vector<1x64xf32> to vector<10000x64xf32>
    %add3A_73 = arith.addf %dot_general3A_68, %add3A_72 : vector<10000x64xf32>
    %swap3A = arith.constant 0 : index
    %swap3A_74 = arith.constant 0 : index
    %swap3A_75 = vector.load %arg11[%swap3A, %swap3A_74] : memref<10000x64xf32, #tpu.memory_space<vmem>>, vector<10000x64xf32>
    tpu.vector_store %arg11[%swap3A, %swap3A_74], %add3A_73 {strides = array<i32>} : memref<10000x64xf32, #tpu.memory_space<vmem>>, vector<10000x64xf32>,
    return
  }
}

</mosaic_0001>

<sc_bundles>
// kernel: kernel.6.cloned.1.call-start
scs
__scs_entry_jumppad:
0x0: {  	(pc) =	sbr.rel $0x88, $3  }
0x1: {  	(tag) =	ssettag $0x0;
	lr =	simm.s32 $0x1  }
0x2: {  	[smem:$0x3F8F] =	sst lr;
	_ =	strace $0xD0000000  }
0x3: {  	_ = 	snop  }
0x4: {  	_ = 	snop  }
0x5: {  	_ = 	snop  }
0x6: {  	_ = 	snop  }
0x7: {  	_ = 	snop  }
__scs_overlays_trampoline_lowered:
0x8: {  	[smem:$0x3F9E] =	sst s0  }
0x9: {  	[smem:$0x3F9F] =	sst s1  }
0xa: {  	[smem:$0x3FA0] =	sst s2  }
0xb: {  	[smem:$0x3FA1] =	sst s3  }
0xc: {  	[smem:$0x3FA2] =	sst s4  }
0xd: {  	[smem:$0x3FA3] =	sst s5  }
0xe: {  	[smem:$0x3FA4] =	sst s6  }
0xf: {  	[smem:$0x3FA5] =	sst s7  }
0x10: {  	[smem:$0x3FA6] =	sst s8  }
0x11: {  	[smem:$0x3FA7] =	sst s9;
	s0 =	simm.s32 @!p0 $0x0  }
0x12: {  	s1 =	sld [smem:$0x3F8D];
	s0 =	simm.s32 @p0 $0x1  }
0x13: {  	[smem:$0x3FA8] =	sst s0;
	s0 =	simm.s32 @!p1 $0x0  }
0x14: {  	s2 =	sld [smem:$0x3F8C];
	s0 =	simm.s32 @p1 $0x1  }
0x15: {  	[smem:$0x3FA9] =	sst s0;
	s0 =	simm.s32 @!p2 $0x0  }
0x16: {  	s3 =	sld [smem:$0x3FDB];
	s0 =	simm.s32 @p2 $0x1  }
0x17: {  	s4 =	simm.s32 $0x1BF5;
	[smem:$0x3FAB] =	sst s0  }
0x18: {  	s0 =	sld [smem:$0x3F8E];
	_ =	swait.ge [sflag:s4], $0x0  }
0x19: {  	s7 =	sld [smem:$0x3F8F]  }
0x1a: {  	s8 =	sadd.s32 $0xFFFFE003, lr  }
0x1b: {  	s9 =	sadd.s32 $0xFFFFFEF7, lr;
	s5 =	simm.s32 $0xFFFFFFFF;
	p2 =	slt.u32 s8, $0xFFFFF086  }
0x1c: {  	p1 =	slt.u32 s9, $0xF7A;
	s5 =	simm.s32 @!p2 $0x0  }
0x1d: {  	s5 =	simm.s32 @p1 $0x1;
	p0 =	seq.s32 s7, s2  }
0x1e: {  	s7 =	smul.u32 @!p0 $0xF7A, s2;
	p2 =	seq.s32 @!p0 s5, $0x0  }
0x1f: {  	s9 =	smul.u32 $0xF7A, s1;
	s8 =	simm.s32 @!p0 $0x1BF5;
	p2 =	por !p2, p0  }
0x20: {  	[sflag:s8] =	ssyncset.s32 @!p0 $0xFFFFF086;
	s6 =	sadd.s32 @!p0 s3, s7;
	s7 =	simm.s32 @!p0 $0x108  }
0x21: {  	s3 =	sadd.s32 s3, s9;
	s6 =	sadd.s32 @!p0 $0x88, s6;
	s7 =	simm.s32 @p2 $0x1082  }
0x22: {  	[simem:s7], [sflag:s8] =	dma.local @!p0 [hbm:s6], $0xF7A  }
0x23: {  	s9 =	sor.u32 $0xD0000000, s2;
	s6 =	simm.s32 $0x108;
	_ =	swait.ge @!p0 [sflag:s8], $0x0  }
0x24: {  	s3 =	sadd.s32 $0x88, s3;
	s6 =	simm.s32 @!p1 $0x1082;
	[sflag:s4] =	ssyncset.s32 $0xFFFFF086  }
0x25: {  	[simem:s6], [sflag:s4] =	dma.local [hbm:s3], $0xF7A  }
0x26: {  	[smem:$0x3F8F] =	sst s1;
	(tag) =	ssettag s2;
	_ =	strace s9  }
0x27: {  	s1 =	sld [smem:$0x3F9F]  }
0x28: {  	s2 =	sld [smem:$0x3FA0]  }
0x29: {  	s4 =	sld [smem:$0x3FA2]  }
0x2a: {  	p0 =	seq.s32 s5, $0x0;
	s5 =	sld [smem:$0x3FA3]  }
0x2b: {  	s6 =	sld [smem:$0x3FA4]  }
0x2c: {  	s7 =	sld [smem:$0x3FA5]  }
0x2d: {  	s3 =	simm.s32 $0x108;
	s8 =	sld [smem:$0x3FA6]  }
0x2e: {  	s3 =	simm.s32 @!p0 $0x1082;
	s9 =	sld [smem:$0x3FA7]  }
0x2f: {  	lr =	sadd.s32 s0, s3;
	s0 =	sld [smem:$0x3F9E]  }
0x30: {  	s3 =	sld [smem:$0x3FA1]  }
0x31: {  	[smem:$0x3FAA] =	sst s10  }
0x32: {  	s10 =	sld [smem:$0x3FA8];
	_ =	sdelay $0x3  }
0x33: {  	p0 =	seq.s32 s10, $0x1;
	s10 =	sld [smem:$0x3FAA];
	_ =	sdelay $0x3  }
0x34: {  	[smem:$0x3FAA] =	sst s10  }
0x35: {  	s10 =	sld [smem:$0x3FA9];
	_ =	sdelay $0x3  }
0x36: {  	p1 =	seq.s32 s10, $0x1;
	s10 =	sld [smem:$0x3FAA];
	_ =	sdelay $0x3  }
0x37: {  	[smem:$0x3FAA] =	sst s10  }
0x38: {  	s10 =	sld [smem:$0x3FAB]  }
0x39: {  	_ = 	snop;
	(pc) =	sbr.ind lr, $3  }
0x3a: {  	_ = 	snop  }
0x3b: {  	_ = 	snop  }
0x3c: {  	p2 =	seq.s32 s10, $0x1;
	s10 =	sld [smem:$0x3FAA]  }
0x3d: {  	_ =	shalt  }
0x3e: {  	_ =	shalt  }
0x3f: {  	_ =	shalt  }
0x40: {  	_ =	shalt  }
0x41: {  	_ =	shalt  }
0x42: {  	_ =	shalt  }
0x43: {  	_ =	shalt  }
0x44: {  	_ =	shalt  }
0x45: {  	_ =	shalt  }
0x46: {  	_ =	shalt  }
0x47: {  	_ =	shalt  }
0x48: {  	_ =	shalt  }
0x49: {  	_ =	shalt  }
0x4a: {  	_ =	shalt  }
0x4b: {  	_ =	shalt  }
0x4c: {  	_ =	shalt  }
0x4d: {  	_ =	shalt  }
0x4e: {  	_ =	shalt  }
0x4f: {  	_ =	shalt  }
0x50: {  	_ =	shalt  }
0x51: {  	_ =	shalt  }
0x52: {  	_ =	shalt  }
0x53: {  	_ =	shalt  }
0x54: {  	_ =	shalt  }
0x55: {  	_ =	shalt  }
0x56: {  	_ =	shalt  }
0x57: {  	_ =	shalt  }
0x58: {  	_ =	shalt  }
0x59: {  	_ =	shalt  }
0x5a: {  	_ =	shalt  }
0x5b: {  	_ =	shalt  }
0x5c: {  	_ =	shalt  }
0x5d: {  	_ =	shalt  }
0x5e: {  	_ =	shalt  }
0x5f: {  	_ =	shalt  }
0x60: {  	_ =	shalt  }
0x61: {  	_ =	shalt  }
0x62: {  	_ =	shalt  }
0x63: {  	_ =	shalt  }
0x64: {  	_ =	shalt  }
0x65: {  	_ =	shalt  }
0x66: {  	_ =	shalt  }
0x67: {  	_ =	shalt  }
0x68: {  	_ =	shalt  }
0x69: {  	_ =	shalt  }
0x6a: {  	_ =	shalt  }
0x6b: {  	_ =	shalt  }
0x6c: {  	_ =	shalt  }
0x6d: {  	_ =	shalt  }
0x6e: {  	_ =	shalt  }
0x6f: {  	_ =	shalt  }
0x70: {  	_ =	shalt  }
0x71: {  	_ =	shalt  }
0x72: {  	_ =	shalt  }
0x73: {  	_ =	shalt  }
0x74: {  	_ =	shalt  }
0x75: {  	_ =	shalt  }
0x76: {  	_ =	shalt  }
0x77: {  	_ =	shalt  }
0x78: {  	_ =	shalt  }
0x79: {  	_ =	shalt  }
0x7a: {  	_ =	shalt  }
0x7b: {  	_ =	shalt  }
0x7c: {  	_ =	shalt  }
0x7d: {  	_ =	shalt  }
0x7e: {  	_ =	shalt  }
0x7f: {  	_ =	shalt  }
0x80: {  	_ =	shalt  }
0x81: {  	_ =	shalt  }
0x82: {  	_ =	shalt  }
0x83: {  	_ =	shalt  }
0x84: {  	_ =	shalt  }
0x85: {  	_ =	shalt  }
0x86: {  	_ =	shalt  }
0x87: {  	_ =	shalt  }
.Lfunc_end0:
.L_simem_size_0:
called_computation_lowered:
.L_overlay_start_0:
0x88: {  	s2 =	sld [smem:$0x3FD9]  }
0x89: {  	s3 =	sld [smem:$0x3FFE];
	_ =	sdelay $0x1  }
0x8a: {  	s1 =	srdreg.scid  }
0x8b: {  	s0 =	sand.u32 $0x1, s1  }
0x8c: {  	s17 =	sshll.u32 s0, $0xA;
	s2 =	sadd.s32 s3, s2  }
0x8d: {  	s2 =	sadd.s32 s2, s17  }
0x8e: {  	[smem:$0x3FB6] =	sst s2  }
0x8f: {  	_ = 	snop  }
0x90: {  	s2 =	sld [smem:$0x3FC9]  }
0x91: {  	s18 =	sld [smem:$0x3FD0];
	(tm) =	ssettm $0x1  }
0x92: {  	s4 =	sld [smem:$0x3FFB];
	_ =	sdelay $0x3  }
0x93: {  	_ =	strace s4  }
0x94: {  	s4 =	sld [smem:$0x3FFC];
	_ =	sdelay $0x3  }
0x95: {  	_ =	strace s4  }
0x96: {  	s4 =	sld [smem:$0x3FFD];
	_ =	sdelay $0x3  }
0x97: {  	_ =	strace s4  }
0x98: {  	_ =	strace $0x8FFFFFFF  }
0x99: {  	s19 =	sld [smem:$0x3FDB];
	_ =	sdelay $0x1  }
0x9a: {  	s5 =	simm.s32 $_scs_section_size  }
0x9b: {  	s6 =	simm.s32 $_size__tile_overlayer_lowered;
	s7 =	simm.s32 $_tile_overlayer_lowered  }
0x9c: {  	s22 =	simm.s32 $0x1BFF;
	s21 =	sshll.u32 s7, $0x1;
	s4 =	sadd.s32 s5, s19  }
0x9d: {  	s8 =	simm.s32 $0x0;
	s20 =	sshll.u32 s6, $0x1;
	s6 =	sadd.s32 s21, s4  }
0x9e: {  	[timem:s8], [sflag:s22] =	dma.local [hbm:s6], s20  }
0x9f: {  	_ =	swait.ge [sflag:s22], s20  }
0xa0: {  	s5 =	ssub.s32 $0x0, s20;
	[sflag:s22] =	ssyncset.done $0x0  }
0xa1: {  	[sflag:s22] =	ssyncadd.s32 s5;
	_ =	sdelay $0x1  }
0xa2: {  	s23 =	simm.s32 $0x1B8B  }
0xa3: {  	_ =	swait.ge [sflag:s23], $0x1  }
0xa4: {  	[sflag:s23] =	ssyncset.done $0x0  }
0xa5: {  	s25 =	simm.s32 $0x1B8E;
	s24 =	sld [smem:$0x3FFE];
	[sflag:s23] =	ssyncadd.s32 $0xFFFFFFFF  }
0xa6: {  	s26 =	simm.s32 $execute0_lowered;
	[smem:$0x3FD2] =	sst s25  }
0xa7: {  	s6 =	sshll.u32 s26, $0x1;
	_ =	strace $0x80000046;
	[dreg:$0x1] =	wrdreg $0xFFFFFFFF  }
0xa8: {  	s28 =	simm.s32 $_size_execute0_lowered;
	s4 =	sadd.s32 s4, s6;
	[dreg:$0x0] =	wrdreg $0x0  }
0xa9: {  	s6 =	sshll.u32 s28, $0x1;
	[dreg:$0x2] =	wrdreg s4  }
0xaa: {  	[dreg:$0x3] =	wrdreg s6  }
0xab: {  	[dreg:$0x4] =	wrdreg $0xC0  }
0xac: {  	_ =	task [dreg:s8], $0x5FFFF  }
0xad: {  	[dreg:$0x1] =	wrdreg $0xFFFFFFFF  }
0xae: {  	[dreg:$0x0] =	wrdreg $0x60  }
0xaf: {  	[dreg:$0x2] =	wrdreg s2  }
0xb0: {  	[dreg:$0x3] =	wrdreg s24  }
0xb1: {  	[dreg:$0x4] =	wrdreg s18  }
0xb2: {  	[dreg:$0x5] =	wrdreg $0x13C400  }
0xb3: {  	[dreg:$0x6] =	wrdreg $0x9  }
0xb4: {  	_ =	task.clear_ibuf [dreg:s8], $0x7FFFF;
	_ =	strace $0x90000046  }
0xb5: {  	s29 =	simm.s32 $0x9;
	_ =	strace $0x80000048  }
0xb6: {  	_ =	swait.ge [sflag:s29], $0x1  }
0xb7: {  	[sflag:s29] =	ssyncadd.s32 $0xFFFFFFFF  }
0xb8: {  	_ =	strace $0x90000048  }
0xb9: {  	_ =	sfence  }
0xba: {  	s30 =	sld [smem:$0x0];
	_ =	sdelay $0x2  }
0xbb: {  	s31 =	sshll.u32 s1, $0xD;
	s1 =	sshrl.u32 s1, $0x2  }
0xbc: {  	s3 =	sand.u32 $0x4000, s31;
	s1 =	sadd.s32 s1, s30  }
0xbd: {  	s0 =	sor.u32 s3, s0;
	s1 =	sshll.u32 s1, $0x11  }
0xbe: {  	s0 =	sor.u32 s1, s0  }
0xbf: {  	s0 =	sadd.s32 $0x8F2B, s0  }
0xc0: {  	[sflag:s0] =	ssyncadd.remote.s32 $0x1  }
0xc1: {  	_ =	sfence.sel $0xFFFF  }
0xc2: {  	[dreg:$0x0] =	wrdreg $0xFFFFFFFF;
	(pc) =	sbr.abs _section_cstart, $3  }
0xc3: {  	[dreg:$0x1] =	wrdreg $0xFFFFFFFF  }
0xc4: {  	_ =	task.clear_ibuf [dreg:s8], $0x2FFFF;
	_ =	strace $0x9FFFFFFF  }
0xc5: {  	(tm) =	ssettm $0x7FFFFFFF  }
tec
execute0_lowered:
.L_overlay_start_1:
0x0: {  	(tag) =	ssettag $0x1  }
0x1: {  	s0 =	rddreg [dreg:$0x0]  }
0x2: {  	s1 =	rddreg [dreg:$0x1]  }
0x3: {  	s3 =	rddreg [dreg:$0x3]  }
0x4: {  	s11 =	stileid.u32;
	s2 =	srdreg.scid  }
0x5: {  	s4 =	simm.s32 $0x0;
	s12 =	simm.s32 $0xB;
	s15 =	simm.s32 $0x1  }
0x6: {  	s16 =	simm.s32 $0x7D;
	s17 =	simm.s32 $0xA000;
	s19 =	simm.s32 $0xBF40  }
0x7: {  	s21 =	simm.s32 $0xDE80;
	s28 =	simm.s32 $0x3;
	s29 =	simm.s32 $0x4  }
0x8: {  	s30 =	simm.s32 $0x5;
	s31 =	simm.s32 $0x6;
	s5 =	smul.u32 $0x13880, s11  }
0x9: {  	s14 =	simm.s32 $0xA;
	s22 =	simm.s32 $0x0;
	s13 =	smul.u32 $0xA00, s11  }
0xa: {  	s2 =	sand.u32 $0x1, s2;
	[smem:$0x7FF] =	sst s4;
	s7 =	smul.u32 $0x27100, s11  }
0xb: {  	s6 =	sshll.u32 s2, $0x6;
	_ =	strace $0x80000047;
	s23 =	ssub.s32 $0x2, s2  }
0xc: {  	s2 =	sshll.u32 s2, $0x3;
	s5 =	sor.u32 s6, s5;
	s8 =	sadd.s32 s13, s1  }
0xd: {  	s24 =	sshrl.u32 s23, $0x1;
	s25 =	sshrl.u32 s7, $0x2;
	s5 =	sshrl.u32 s5, $0x3  }
0xe: {  	s10 =	ssub.s32 s23, s24;
	s26 =	sadd.s32 s25, s3;
	s7 =	sadd.s32 $0x3A00, s8  }
0xf: {  	s8 =	sadd.s32 s0, s2;
	s23 =	simm.s32 $0xFDC0;
	s25 =	simm.s32 $0x11D00  }
0x10: {  	s0 =	simm.s32 $0x7;
	s2 =	simm.s32 $0x9;
	s9 =	sadd.s32 s5, s1  }
0x11: {  	s5 =	sshll.u32 s11, $0x6;
	s1 =	sadd.s32 $0xDA00, s1;
	s10 =	smax.u32 s10, $0x1  }
0x12: {  	s11 =	sshrl.u32 s26, $0x3;
	s26 =	simm.s32 $0x2;
	s6 =	sor.u32 $0x1C01, s5  }
0x13: {  	s9 =	sadd.s32 $0x17A00, s9;
	s13 =	sadd.s32 s13, s1;
	s1 =	simm.s32 $0x8  }
.LBB2_1:
0x14: {  	s18 =	rddreg [dreg:$0x2]  }
0x15: {  	[spmem:s11], [sflag:s6] =	dma.local [hbm:s18], $0x1388  }
0x16: {  	[tilespmem:s4], [sflag:$0xB] =	stream.linear.gather [hbm4b:s7+s4], $0x5000, $0x38;
	[tilespmem:$0x1D880] =	vst v63  }
0x17: {  	_ =	swait.ge [sflag:s12], $0x5000  }
0x18: {  	[sflag:s12] =	ssyncset.done $0x0  }
0x19: {  	s20 =	simm.s32 $0x5000;
	[sflag:s12] =	ssyncadd.s32 $0xFFFFB000  }
0x1a: {  	[tilespmem:s20], [sflag:$0xB] =	stream.linear.gather [hbm4b:s13+s4], $0x5000, $0x38;
	[tilespmem:$0x1D880] =	vst v63  }
0x1b: {  	_ =	swait.ge [sflag:s12], $0x5000  }
0x1c: {  	[sflag:s12] =	ssyncset.done $0x0  }
0x1d: {  	[sflag:s12] =	ssyncadd.s32 $0xFFFFB000  }
0x1e: {  	_ =	swait.ge [sflag:s15], $0x1388  }
0x1f: {  	[sflag:s15] =	ssyncset.done $0x0  }
0x20: {  	[sflag:s15] =	ssyncadd.s32 $0xFFFFEC78  }
0x21: {  	[bflag:$0x0] =	sbarrier.arrive $0xFFFF  }
0x22: {  	[tilespmem:s17], [sflag:$0x1] =	stream.indirect.gather [hbm4b:s8+s16], $0x40, s4, s16, $0xb8;
	[tilespmem:$0x1D880] =	vst v63  }
0x23: {  	s24 =	simm.s32 $0x80  }
0x24: {  	[tilespmem:s19], [sflag:$0x2] =	stream.indirect.gather [hbm4b:s8+s16], $0x40, s24, s16, $0xb8;
	[tilespmem:$0x1D880] =	vst v63  }
0x25: {  	s20 =	simm.s32 $0x100  }
0x26: {  	[tilespmem:s21], [sflag:$0x3] =	stream.indirect.gather [hbm4b:s8+s16], $0x40, s20, s16, $0xb8;
	[tilespmem:$0x1D880] =	vst v63  }
0x27: {  	s24 =	simm.s32 $0x180  }
0x28: {  	[tilespmem:s23], [sflag:$0x4] =	stream.indirect.gather [hbm4b:s8+s16], $0x40, s24, s16, $0xb8;
	[tilespmem:$0x1D880] =	vst v63  }
0x29: {  	s20 =	simm.s32 $0x200  }
0x2a: {  	[tilespmem:s25], [sflag:$0x5] =	stream.indirect.gather [hbm4b:s8+s16], $0x40, s20, s16, $0xb8;
	[tilespmem:$0x1D880] =	vst v63  }
0x2b: {  	_ =	swait.ge [sflag:s15], $0x1F40  }
0x2c: {  	[sflag:s15] =	ssyncset.done $0x0  }
0x2d: {  	s24 =	simm.s32 $0x5000;
	[sflag:s15] =	ssyncadd.s32 $0xFFFFE0C0  }
0x2e: {  	[spmem:s3] =	stream.indirect.scatter.add.f32 [tilespmem:s17], [sflag:$0x6], $0x40, s24, s16, $0xb8;
	[tilespmem:$0x1D880] =	vst v63  }
0x2f: {  	_ =	swait.ge [sflag:s26], $0x1F40  }
0x30: {  	[sflag:s26] =	ssyncset.done $0x0  }
0x31: {  	s20 =	simm.s32 $0x5080;
	[sflag:s26] =	ssyncadd.s32 $0xFFFFE0C0  }
0x32: {  	[spmem:s3] =	stream.indirect.scatter.add.f32 [tilespmem:s19], [sflag:$0x7], $0x40, s20, s16, $0xb8;
	[tilespmem:$0x1D880] =	vst v63  }
0x33: {  	_ =	swait.ge [sflag:s28], $0x1F40  }
0x34: {  	[sflag:s28] =	ssyncset.done $0x0  }
0x35: {  	s24 =	simm.s32 $0x5100;
	[sflag:s28] =	ssyncadd.s32 $0xFFFFE0C0  }
0x36: {  	[spmem:s3] =	stream.indirect.scatter.add.f32 [tilespmem:s21], [sflag:$0x8], $0x40, s24, s16, $0xb8;
	[tilespmem:$0x1D880] =	vst v63  }
0x37: {  	_ =	swait.ge [sflag:s29], $0x1F40  }
0x38: {  	[sflag:s29] =	ssyncset.done $0x0  }
0x39: {  	s20 =	simm.s32 $0x5180;
	[sflag:s29] =	ssyncadd.s32 $0xFFFFE0C0  }
0x3a: {  	[spmem:s3] =	stream.indirect.scatter.add.f32 [tilespmem:s23], [sflag:$0x9], $0x40, s20, s16, $0xb8;
	[tilespmem:$0x1D880] =	vst v63  }
0x3b: {  	_ =	swait.ge [sflag:s30], $0x1F40  }
0x3c: {  	[sflag:s30] =	ssyncset.done $0x0  }
0x3d: {  	s24 =	simm.s32 $0x5200;
	[sflag:s30] =	ssyncadd.s32 $0xFFFFE0C0  }
0x3e: {  	[spmem:s3] =	stream.indirect.scatter.add.f32 [tilespmem:s25], [sflag:$0xA], $0x40, s24, s16, $0xb8;
	[tilespmem:$0x1D880] =	vst v63  }
0x3f: {  	_ =	swait.ge [sflag:s31], $0x1F40  }
0x40: {  	[sflag:s31] =	ssyncset.done $0x0  }
0x41: {  	s20 =	simm.s32 $0x280;
	[sflag:s31] =	ssyncadd.s32 $0xFFFFE0C0  }
0x42: {  	[tilespmem:s17], [sflag:$0x1] =	stream.indirect.gather [hbm4b:s8+s16], $0x40, s20, s16, $0xb8;
	[tilespmem:$0x1D880] =	vst v63  }
0x43: {  	_ =	swait.ge [sflag:s0], $0x1F40  }
0x44: {  	[sflag:s0] =	ssyncset.done $0x0  }
0x45: {  	s24 =	simm.s32 $0x300;
	[sflag:s0] =	ssyncadd.s32 $0xFFFFE0C0  }
0x46: {  	[tilespmem:s19], [sflag:$0x2] =	stream.indirect.gather [hbm4b:s8+s16], $0x40, s24, s16, $0xb8;
	[tilespmem:$0x1D880] =	vst v63  }
0x47: {  	_ =	swait.ge [sflag:s1], $0x1F40  }
0x48: {  	[sflag:s1] =	ssyncset.done $0x0  }
0x49: {  	s20 =	simm.s32 $0x380;
	[sflag:s1] =	ssyncadd.s32 $0xFFFFE0C0  }
0x4a: {  	[tilespmem:s21], [sflag:$0x3] =	stream.indirect.gather [hbm4b:s8+s16], $0x40, s20, s16, $0xb8;
	[tilespmem:$0x1D880] =	vst v63  }
0x4b: {  	_ =	swait.ge [sflag:s2], $0x1F40  }
0x4c: {  	[sflag:s2] =	ssyncset.done $0x0  }
0x4d: {  	s24 =	simm.s32 $0x400;
	[sflag:s2] =	ssyncadd.s32 $0xFFFFE0C0  }
0x4e: {  	[tilespmem:s23], [sflag:$0x4] =	stream.indirect.gather [hbm4b:s8+s16], $0x40, s24, s16, $0xb8;
	[tilespmem:$0x1D880] =	vst v63  }
0x4f: {  	_ =	swait.ge [sflag:s14], $0x1F40  }
0x50: {  	[sflag:s14] =	ssyncset.done $0x0  }
0x51: {  	s18 =	simm.s32 $0x480;
	s24 =	simm.s32 $0xA00;
	[sflag:s14] =	ssyncadd.s32 $0xFFFFE0C0  }
.LBB2_2:
0x52: {  	[tilespmem:s25], [sflag:$0x5] =	stream.indirect.gather [hbm4b:s8+s16], $0x40, s18, s16, $0xb8;
	[tilespmem:$0x1D880] =	vst v63  }
0x53: {  	s18 =	smov.u32 s24  }
0x54: {  	p0 =	sne.s32 s24, $0x12C00;
	s24 =	sadd.s32 $0xA00, s24;
	_ =	swait.ge [sflag:s15], $0x1F40  }
0x55: {  	s18 =	sshra.s32 s18, $0x2;
	[sflag:s15] =	ssyncset.done $0x0  }
0x56: {  	s20 =	sadd.s32 $0x5000, s18;
	[sflag:s15] =	ssyncadd.s32 $0xFFFFE0C0  }
0x57: {  	[spmem:s3] =	stream.indirect.scatter.add.f32 [tilespmem:s17], [sflag:$0x6], $0x40, s20, s16, $0xb8;
	[tilespmem:$0x1D880] =	vst v63  }
0x58: {  	_ =	swait.ge [sflag:s26], $0x1F40  }
0x59: {  	[sflag:s26] =	ssyncset.done $0x0  }
0x5a: {  	s20 =	sadd.s32 $0x5080, s18;
	[sflag:s26] =	ssyncadd.s32 $0xFFFFE0C0  }
0x5b: {  	[spmem:s3] =	stream.indirect.scatter.add.f32 [tilespmem:s19], [sflag:$0x7], $0x40, s20, s16, $0xb8;
	[tilespmem:$0x1D880] =	vst v63  }
0x5c: {  	_ =	swait.ge [sflag:s28], $0x1F40  }
0x5d: {  	[sflag:s28] =	ssyncset.done $0x0  }
0x5e: {  	s20 =	sadd.s32 $0x5100, s18;
	[sflag:s28] =	ssyncadd.s32 $0xFFFFE0C0  }
0x5f: {  	[spmem:s3] =	stream.indirect.scatter.add.f32 [tilespmem:s21], [sflag:$0x8], $0x40, s20, s16, $0xb8;
	[tilespmem:$0x1D880] =	vst v63  }
0x60: {  	_ =	swait.ge [sflag:s29], $0x1F40  }
0x61: {  	[sflag:s29] =	ssyncset.done $0x0  }
0x62: {  	s20 =	sadd.s32 $0x5180, s18;
	[sflag:s29] =	ssyncadd.s32 $0xFFFFE0C0  }
0x63: {  	[spmem:s3] =	stream.indirect.scatter.add.f32 [tilespmem:s23], [sflag:$0x9], $0x40, s20, s16, $0xb8;
	[tilespmem:$0x1D880] =	vst v63  }
0x64: {  	_ =	swait.ge [sflag:s30], $0x1F40  }
0x65: {  	[sflag:s30] =	ssyncset.done $0x0  }
0x66: {  	s20 =	sadd.s32 $0x5200, s18;
	[sflag:s30] =	ssyncadd.s32 $0xFFFFE0C0  }
0x67: {  	[spmem:s3] =	stream.indirect.scatter.add.f32 [tilespmem:s25], [sflag:$0xA], $0x40, s20, s16, $0xb8;
	[tilespmem:$0x1D880] =	vst v63  }
0x68: {  	_ =	swait.ge [sflag:s31], $0x1F40  }
0x69: {  	[sflag:s31] =	ssyncset.done $0x0  }
0x6a: {  	s20 =	sadd.s32 $0x280, s18;
	[sflag:s31] =	ssyncadd.s32 $0xFFFFE0C0  }
0x6b: {  	[tilespmem:s17], [sflag:$0x1] =	stream.indirect.gather [hbm4b:s8+s16], $0x40, s20, s16, $0xb8;
	[tilespmem:$0x1D880] =	vst v63  }
0x6c: {  	_ =	swait.ge [sflag:s0], $0x1F40  }
0x6d: {  	[sflag:s0] =	ssyncset.done $0x0  }
0x6e: {  	s20 =	sadd.s32 $0x300, s18;
	[sflag:s0] =	ssyncadd.s32 $0xFFFFE0C0  }
0x6f: {  	[tilespmem:s19], [sflag:$0x2] =	stream.indirect.gather [hbm4b:s8+s16], $0x40, s20, s16, $0xb8;
	[tilespmem:$0x1D880] =	vst v63  }
0x70: {  	_ =	swait.ge [sflag:s1], $0x1F40  }
0x71: {  	[sflag:s1] =	ssyncset.done $0x0  }
0x72: {  	s20 =	sadd.s32 $0x380, s18;
	[sflag:s1] =	ssyncadd.s32 $0xFFFFE0C0  }
0x73: {  	[tilespmem:s21], [sflag:$0x3] =	stream.indirect.gather [hbm4b:s8+s16], $0x40, s20, s16, $0xb8;
	[tilespmem:$0x1D880] =	vst v63  }
0x74: {  	_ =	swait.ge [sflag:s2], $0x1F40  }
0x75: {  	[sflag:s2] =	ssyncset.done $0x0  }
.Ltmp0:
0x76: {  	s20 =	sadd.s32 $0x400, s18;
	[sflag:s2] =	ssyncadd.s32 $0xFFFFE0C0;
	(pc) =	sbr.rel @p0 .LBB2_2-.Ltmp0, $4  }
0x77: {  	[tilespmem:s23], [sflag:$0x4] =	stream.indirect.gather [hbm4b:s8+s16], $0x40, s20, s16, $0xb8;
	[tilespmem:$0x1D880] =	vst v63  }
0x78: {  	_ =	swait.ge [sflag:s14], $0x1F40  }
0x79: {  	[sflag:s14] =	ssyncset.done $0x0  }
0x7a: {  	s18 =	sadd.s32 $0x480, s18;
	[sflag:s14] =	ssyncadd.s32 $0xFFFFE0C0  }
0x7b: {  	[tilespmem:s25], [sflag:$0x5] =	stream.indirect.gather [hbm4b:s8+s16], $0x40, s18, s16, $0xb8;
	[tilespmem:$0x1D880] =	vst v63  }
0x7c: {  	_ =	swait.ge [sflag:s15], $0x1F40  }
0x7d: {  	[sflag:s15] =	ssyncset.done $0x0  }
0x7e: {  	s20 =	simm.s32 $0x9D80;
	[sflag:s15] =	ssyncadd.s32 $0xFFFFE0C0  }
0x7f: {  	[spmem:s3] =	stream.indirect.scatter.add.f32 [tilespmem:s17], [sflag:$0x6], $0x40, s20, s16, $0xb8;
	[tilespmem:$0x1D880] =	vst v63  }
0x80: {  	_ =	swait.ge [sflag:s26], $0x1F40  }
0x81: {  	[sflag:s26] =	ssyncset.done $0x0  }
0x82: {  	s24 =	simm.s32 $0x9E00;
	[sflag:s26] =	ssyncadd.s32 $0xFFFFE0C0  }
0x83: {  	[spmem:s3] =	stream.indirect.scatter.add.f32 [tilespmem:s19], [sflag:$0x7], $0x40, s24, s16, $0xb8;
	[tilespmem:$0x1D880] =	vst v63  }
0x84: {  	_ =	swait.ge [sflag:s28], $0x1F40  }
0x85: {  	[sflag:s28] =	ssyncset.done $0x0  }
0x86: {  	s20 =	simm.s32 $0x9E80;
	[sflag:s28] =	ssyncadd.s32 $0xFFFFE0C0  }
0x87: {  	[spmem:s3] =	stream.indirect.scatter.add.f32 [tilespmem:s21], [sflag:$0x8], $0x40, s20, s16, $0xb8;
	[tilespmem:$0x1D880] =	vst v63  }
0x88: {  	_ =	swait.ge [sflag:s29], $0x1F40  }
0x89: {  	[sflag:s29] =	ssyncset.done $0x0  }
0x8a: {  	s24 =	simm.s32 $0x9F00;
	[sflag:s29] =	ssyncadd.s32 $0xFFFFE0C0  }
0x8b: {  	[spmem:s3] =	stream.indirect.scatter.add.f32 [tilespmem:s23], [sflag:$0x9], $0x40, s24, s16, $0xb8;
	[tilespmem:$0x1D880] =	vst v63  }
0x8c: {  	_ =	swait.ge [sflag:s30], $0x1F40  }
0x8d: {  	[sflag:s30] =	ssyncset.done $0x0  }
0x8e: {  	s20 =	simm.s32 $0x9F80;
	[sflag:s30] =	ssyncadd.s32 $0xFFFFE0C0  }
0x8f: {  	[spmem:s3] =	stream.indirect.scatter.add.f32 [tilespmem:s25], [sflag:$0xA], $0x40, s20, s16, $0xb8;
	[tilespmem:$0x1D880] =	vst v63  }
0x90: {  	_ =	swait.ge [sflag:s31], $0x1F40  }
0x91: {  	[sflag:s31] =	ssyncset.done $0x0  }
0x92: {  	[sflag:s31] =	ssyncadd.s32 $0xFFFFE0C0  }
0x93: {  	_ =	swait.ge [sflag:s0], $0x1F40  }
0x94: {  	[sflag:s0] =	ssyncset.done $0x0  }
0x95: {  	[sflag:s0] =	ssyncadd.s32 $0xFFFFE0C0  }
0x96: {  	_ =	swait.ge [sflag:s1], $0x1F40  }
0x97: {  	[sflag:s1] =	ssyncset.done $0x0  }
0x98: {  	[sflag:s1] =	ssyncadd.s32 $0xFFFFE0C0  }
0x99: {  	_ =	swait.ge [sflag:s2], $0x1F40  }
0x9a: {  	[sflag:s2] =	ssyncset.done $0x0  }
0x9b: {  	[sflag:s2] =	ssyncadd.s32 $0xFFFFE0C0  }
0x9c: {  	_ =	swait.ge [sflag:s14], $0x1F40  }
0x9d: {  	[sflag:s14] =	ssyncset.done $0x0  }
0x9e: {  	s22 =	sadd.s32 $0x1, s22;
	[sflag:s14] =	ssyncadd.s32 $0xFFFFE0C0  }
0x9f: {  	p0 =	sne.s32 s22, s10;
	s24 =	sor.u32 $0x1C0B, s5;
	[bflag:$0x0] =	sbarrier.arrive $0xFFFF  }
.Ltmp1:
0xa0: {  	s20 =	simm.s32 $0x10;
	[bflag:$0x0] =	sbarrier.arrive $0xFFFF;
	(pc) =	sbr.rel @p0 .LBB2_1-.Ltmp1, $4  }
0xa1: {  	[hbm:s9@s20], [sflag:s24] =	dma.strided [spmem:s11@s1], $0x1388, s15, $0x8   }
0xa2: {  	_ =	swait.ge [sflag:s12], $0x1388  }
0xa3: {  	[sflag:s12] =	ssyncset.done $0x0  }
0xa4: {  	[sflag:s12] =	ssyncadd.s32 $0xFFFFEC78  }
0xa5: {  	_ =	sfence.sel $0x180000  }
0xa6: {  	[bflag:$0x0] =	sbarrier.arrive $0xFFFF  }
0xa7: {  	_ =	strace $0x90000047  }
0xa8: {  	s0 =	stileid.u32;
	[bflag:$0x2] =	sbarrier.arrive $0xFFFF  }
0xa9: {  	p0 =	sne.s32 s0, $0x0;
	s0 =	rddreg [dreg:$0x4]  }
0xaa: {  	s0 =	sadd.s32 @!p0 $0x100000, s0  }
0xab: {  	[sflag:s0] =	ssyncadd.tile.s32 @!p0 $0x1;
	_ =	shalt  }
.Lfunc_end2:
_tile_overlayer_lowered:
.L_overlay_start_2:
0xac: {  	(tag) =	ssettag $0x2  }
0xad: {  	s0 =	rddreg [dreg:$0x0];
	s2 =	stileid.u32  }
0xae: {  	s1 =	rddreg [dreg:$0x1];
	p0 =	sne.s32 s2, $0x0  }
0xaf: {  	s3 =	rddreg [dreg:$0x2];
	[bflag:$0x3] =	sbarrier.arrive $0xFFFF;
	s2 =	simm.s32 @!p0 $0x1C0B  }
0xb0: {  	[timem:s3], [sflag:s2] =	dma.local @!p0 [hbm:s0], s1  }
0xb1: {  	s0 =	simm.s32 @!p0 $0xB  }
0xb2: {  	_ =	swait.ge @!p0 [sflag:s0], s1  }
0xb3: {  	s1 =	ssub.s32 @!p0 $0x0, s1;
	[sflag:s0] =	ssyncset.done @!p0 $0x0  }
0xb4: {  	[sflag:s0] =	ssyncadd.s32 @!p0 s1  }
0xb5: {  	[bflag:$0x3] =	sbarrier.arrive $0xFFFF  }
0xb6: {  	_ =	shalt  }

// kernel: kernel.9.cloned.1.call-start
scs
__scs_entry_jumppad:
0x0: {  	(pc) =	sbr.rel $0x88, $3  }
0x1: {  	(tag) =	ssettag $0x0;
	lr =	simm.s32 $0x1  }
0x2: {  	[smem:$0x3F8F] =	sst lr;
	_ =	strace $0xD0000000  }
0x3: {  	_ = 	snop  }
0x4: {  	_ = 	snop  }
0x5: {  	_ = 	snop  }
0x6: {  	_ = 	snop  }
0x7: {  	_ = 	snop  }
__scs_overlays_trampoline_lowered:
0x8: {  	[smem:$0x3F9E] =	sst s0  }
0x9: {  	[smem:$0x3F9F] =	sst s1  }
0xa: {  	[smem:$0x3FA0] =	sst s2  }
0xb: {  	[smem:$0x3FA1] =	sst s3  }
0xc: {  	[smem:$0x3FA2] =	sst s4  }
0xd: {  	[smem:$0x3FA3] =	sst s5  }
0xe: {  	[smem:$0x3FA4] =	sst s6  }
0xf: {  	[smem:$0x3FA5] =	sst s7  }
0x10: {  	[smem:$0x3FA6] =	sst s8  }
0x11: {  	[smem:$0x3FA7] =	sst s9;
	s0 =	simm.s32 @!p0 $0x0  }
0x12: {  	s1 =	sld [smem:$0x3F8D];
	s0 =	simm.s32 @p0 $0x1  }
0x13: {  	[smem:$0x3FA8] =	sst s0;
	s0 =	simm.s32 @!p1 $0x0  }
0x14: {  	s2 =	sld [smem:$0x3F8C];
	s0 =	simm.s32 @p1 $0x1  }
0x15: {  	[smem:$0x3FA9] =	sst s0;
	s0 =	simm.s32 @!p2 $0x0  }
0x16: {  	s3 =	sld [smem:$0x3FDB];
	s0 =	simm.s32 @p2 $0x1  }
0x17: {  	s4 =	simm.s32 $0x1BF5;
	[smem:$0x3FAB] =	sst s0  }
0x18: {  	s0 =	sld [smem:$0x3F8E];
	_ =	swait.ge [sflag:s4], $0x0  }
0x19: {  	s7 =	sld [smem:$0x3F8F]  }
0x1a: {  	s8 =	sadd.s32 $0xFFFFE003, lr  }
0x1b: {  	s9 =	sadd.s32 $0xFFFFFEF7, lr;
	s5 =	simm.s32 $0xFFFFFFFF;
	p2 =	slt.u32 s8, $0xFFFFF086  }
0x1c: {  	p1 =	slt.u32 s9, $0xF7A;
	s5 =	simm.s32 @!p2 $0x0  }
0x1d: {  	s5 =	simm.s32 @p1 $0x1;
	p0 =	seq.s32 s7, s2  }
0x1e: {  	s7 =	smul.u32 @!p0 $0xF7A, s2;
	p2 =	seq.s32 @!p0 s5, $0x0  }
0x1f: {  	s9 =	smul.u32 $0xF7A, s1;
	s8 =	simm.s32 @!p0 $0x1BF5;
	p2 =	por !p2, p0  }
0x20: {  	[sflag:s8] =	ssyncset.s32 @!p0 $0xFFFFF086;
	s6 =	sadd.s32 @!p0 s3, s7;
	s7 =	simm.s32 @!p0 $0x108  }
0x21: {  	s3 =	sadd.s32 s3, s9;
	s6 =	sadd.s32 @!p0 $0x88, s6;
	s7 =	simm.s32 @p2 $0x1082  }
0x22: {  	[simem:s7], [sflag:s8] =	dma.local @!p0 [hbm:s6], $0xF7A  }
0x23: {  	s9 =	sor.u32 $0xD0000000, s2;
	s6 =	simm.s32 $0x108;
	_ =	swait.ge @!p0 [sflag:s8], $0x0  }
0x24: {  	s3 =	sadd.s32 $0x88, s3;
	s6 =	simm.s32 @!p1 $0x1082;
	[sflag:s4] =	ssyncset.s32 $0xFFFFF086  }
0x25: {  	[simem:s6], [sflag:s4] =	dma.local [hbm:s3], $0xF7A  }
0x26: {  	[smem:$0x3F8F] =	sst s1;
	(tag) =	ssettag s2;
	_ =	strace s9  }
0x27: {  	s1 =	sld [smem:$0x3F9F]  }
0x28: {  	s2 =	sld [smem:$0x3FA0]  }
0x29: {  	s4 =	sld [smem:$0x3FA2]  }
0x2a: {  	p0 =	seq.s32 s5, $0x0;
	s5 =	sld [smem:$0x3FA3]  }
0x2b: {  	s6 =	sld [smem:$0x3FA4]  }
0x2c: {  	s7 =	sld [smem:$0x3FA5]  }
0x2d: {  	s3 =	simm.s32 $0x108;
	s8 =	sld [smem:$0x3FA6]  }
0x2e: {  	s3 =	simm.s32 @!p0 $0x1082;
	s9 =	sld [smem:$0x3FA7]  }
0x2f: {  	lr =	sadd.s32 s0, s3;
	s0 =	sld [smem:$0x3F9E]  }
0x30: {  	s3 =	sld [smem:$0x3FA1]  }
0x31: {  	[smem:$0x3FAA] =	sst s10  }
0x32: {  	s10 =	sld [smem:$0x3FA8];
	_ =	sdelay $0x3  }
0x33: {  	p0 =	seq.s32 s10, $0x1;
	s10 =	sld [smem:$0x3FAA];
	_ =	sdelay $0x3  }
0x34: {  	[smem:$0x3FAA] =	sst s10  }
0x35: {  	s10 =	sld [smem:$0x3FA9];
	_ =	sdelay $0x3  }
0x36: {  	p1 =	seq.s32 s10, $0x1;
	s10 =	sld [smem:$0x3FAA];
	_ =	sdelay $0x3  }
0x37: {  	[smem:$0x3FAA] =	sst s10  }
0x38: {  	s10 =	sld [smem:$0x3FAB]  }
0x39: {  	_ = 	snop;
	(pc) =	sbr.ind lr, $3  }
0x3a: {  	_ = 	snop  }
0x3b: {  	_ = 	snop  }
0x3c: {  	p2 =	seq.s32 s10, $0x1;
	s10 =	sld [smem:$0x3FAA]  }
0x3d: {  	_ =	shalt  }
0x3e: {  	_ =	shalt  }
0x3f: {  	_ =	shalt  }
0x40: {  	_ =	shalt  }
0x41: {  	_ =	shalt  }
0x42: {  	_ =	shalt  }
0x43: {  	_ =	shalt  }
0x44: {  	_ =	shalt  }
0x45: {  	_ =	shalt  }
0x46: {  	_ =	shalt  }
0x47: {  	_ =	shalt  }
0x48: {  	_ =	shalt  }
0x49: {  	_ =	shalt  }
0x4a: {  	_ =	shalt  }
0x4b: {  	_ =	shalt  }
0x4c: {  	_ =	shalt  }
0x4d: {  	_ =	shalt  }
0x4e: {  	_ =	shalt  }
0x4f: {  	_ =	shalt  }
0x50: {  	_ =	shalt  }
0x51: {  	_ =	shalt  }
0x52: {  	_ =	shalt  }
0x53: {  	_ =	shalt  }
0x54: {  	_ =	shalt  }
0x55: {  	_ =	shalt  }
0x56: {  	_ =	shalt  }
0x57: {  	_ =	shalt  }
0x58: {  	_ =	shalt  }
0x59: {  	_ =	shalt  }
0x5a: {  	_ =	shalt  }
0x5b: {  	_ =	shalt  }
0x5c: {  	_ =	shalt  }
0x5d: {  	_ =	shalt  }
0x5e: {  	_ =	shalt  }
0x5f: {  	_ =	shalt  }
0x60: {  	_ =	shalt  }
0x61: {  	_ =	shalt  }
0x62: {  	_ =	shalt  }
0x63: {  	_ =	shalt  }
0x64: {  	_ =	shalt  }
0x65: {  	_ =	shalt  }
0x66: {  	_ =	shalt  }
0x67: {  	_ =	shalt  }
0x68: {  	_ =	shalt  }
0x69: {  	_ =	shalt  }
0x6a: {  	_ =	shalt  }
0x6b: {  	_ =	shalt  }
0x6c: {  	_ =	shalt  }
0x6d: {  	_ =	shalt  }
0x6e: {  	_ =	shalt  }
0x6f: {  	_ =	shalt  }
0x70: {  	_ =	shalt  }
0x71: {  	_ =	shalt  }
0x72: {  	_ =	shalt  }
0x73: {  	_ =	shalt  }
0x74: {  	_ =	shalt  }
0x75: {  	_ =	shalt  }
0x76: {  	_ =	shalt  }
0x77: {  	_ =	shalt  }
0x78: {  	_ =	shalt  }
0x79: {  	_ =	shalt  }
0x7a: {  	_ =	shalt  }
0x7b: {  	_ =	shalt  }
0x7c: {  	_ =	shalt  }
0x7d: {  	_ =	shalt  }
0x7e: {  	_ =	shalt  }
0x7f: {  	_ =	shalt  }
0x80: {  	_ =	shalt  }
0x81: {  	_ =	shalt  }
0x82: {  	_ =	shalt  }
0x83: {  	_ =	shalt  }
0x84: {  	_ =	shalt  }
0x85: {  	_ =	shalt  }
0x86: {  	_ =	shalt  }
0x87: {  	_ =	shalt  }
.Lfunc_end0:
.L_simem_size_0:
called_computation.1_lowered:
.L_overlay_start_0:
0x88: {  	s2 =	sld [smem:$0x3FD9]  }
0x89: {  	s3 =	sld [smem:$0x3FFE];
	_ =	sdelay $0x1  }
0x8a: {  	s1 =	srdreg.scid  }
0x8b: {  	s0 =	sand.u32 $0x1, s1  }
0x8c: {  	s17 =	sshll.u32 s0, $0xA;
	s2 =	sadd.s32 s3, s2  }
0x8d: {  	s2 =	sadd.s32 s2, s17  }
0x8e: {  	[smem:$0x3FB6] =	sst s2  }
0x8f: {  	_ = 	snop  }
0x90: {  	s2 =	sld [smem:$0x3FD0];
	(tm) =	ssettm $0x1  }
0x91: {  	s18 =	sld [smem:$0x3FFB];
	_ =	sdelay $0x3  }
0x92: {  	_ =	strace s18  }
0x93: {  	s3 =	sld [smem:$0x3FFC];
	_ =	sdelay $0x3  }
0x94: {  	_ =	strace s3  }
0x95: {  	s3 =	sld [smem:$0x3FFD];
	_ =	sdelay $0x3  }
0x96: {  	_ =	strace s3  }
0x97: {  	_ =	strace $0x8FFFFFFF  }
0x98: {  	s19 =	sld [smem:$0x3FDB];
	_ =	sdelay $0x1  }
0x99: {  	s4 =	simm.s32 $_scs_section_size  }
0x9a: {  	s5 =	simm.s32 $_size__tile_overlayer_lowered;
	s6 =	simm.s32 $_tile_overlayer_lowered  }
0x9b: {  	s22 =	simm.s32 $0x1BFF;
	s21 =	sshll.u32 s6, $0x1;
	s3 =	sadd.s32 s4, s19  }
0x9c: {  	s7 =	simm.s32 $0x0;
	s20 =	sshll.u32 s5, $0x1;
	s5 =	sadd.s32 s21, s3  }
0x9d: {  	[timem:s7], [sflag:s22] =	dma.local [hbm:s5], s20  }
0x9e: {  	_ =	swait.ge [sflag:s22], s20  }
0x9f: {  	s4 =	ssub.s32 $0x0, s20;
	[sflag:s22] =	ssyncset.done $0x0  }
0xa0: {  	[sflag:s22] =	ssyncadd.s32 s4;
	_ =	sdelay $0x1  }
0xa1: {  	s23 =	simm.s32 $0x1B8B  }
0xa2: {  	_ =	swait.ge [sflag:s23], $0x1  }
0xa3: {  	[sflag:s23] =	ssyncset.done $0x0  }
0xa4: {  	s25 =	simm.s32 $0x1B8E;
	s24 =	sld [smem:$0x3FFE];
	[sflag:s23] =	ssyncadd.s32 $0xFFFFFFFF  }
0xa5: {  	s26 =	simm.s32 $execute0_lowered;
	[smem:$0x3FD2] =	sst s25  }
0xa6: {  	s5 =	sshll.u32 s26, $0x1;
	_ =	strace $0x80000049;
	[dreg:$0x1] =	wrdreg $0xFFFFFFFF  }
0xa7: {  	s28 =	simm.s32 $_size_execute0_lowered;
	s3 =	sadd.s32 s3, s5;
	[dreg:$0x0] =	wrdreg $0x0  }
0xa8: {  	s5 =	sshll.u32 s28, $0x1;
	[dreg:$0x2] =	wrdreg s3  }
0xa9: {  	[dreg:$0x3] =	wrdreg s5  }
0xaa: {  	[dreg:$0x4] =	wrdreg $0xC0  }
0xab: {  	_ =	task [dreg:s7], $0x5FFFF  }
0xac: {  	[dreg:$0x1] =	wrdreg $0xFFFFFFFF  }
0xad: {  	[dreg:$0x0] =	wrdreg $0x60  }
0xae: {  	[dreg:$0x2] =	wrdreg s24  }
0xaf: {  	[dreg:$0x3] =	wrdreg s2  }
0xb0: {  	[dreg:$0x4] =	wrdreg $0x13C400  }
0xb1: {  	[dreg:$0x5] =	wrdreg $0x9  }
0xb2: {  	_ =	task.clear_ibuf [dreg:s7], $0x6FFFF;
	_ =	strace $0x90000049  }
0xb3: {  	s29 =	simm.s32 $0x9;
	_ =	strace $0x8000004B  }
0xb4: {  	_ =	swait.ge [sflag:s29], $0x1  }
0xb5: {  	[sflag:s29] =	ssyncadd.s32 $0xFFFFFFFF  }
0xb6: {  	_ =	strace $0x9000004B  }
0xb7: {  	_ =	sfence  }
0xb8: {  	s30 =	sld [smem:$0x0];
	_ =	sdelay $0x2  }
0xb9: {  	s31 =	sshll.u32 s1, $0xD;
	s1 =	sshrl.u32 s1, $0x2  }
0xba: {  	s3 =	sand.u32 $0x4000, s31;
	s1 =	sadd.s32 s1, s30  }
0xbb: {  	s0 =	sor.u32 s3, s0;
	s1 =	sshll.u32 s1, $0x11  }
0xbc: {  	s0 =	sor.u32 s1, s0  }
0xbd: {  	s0 =	sadd.s32 $0x8F2B, s0  }
0xbe: {  	[sflag:s0] =	ssyncadd.remote.s32 $0x1  }
0xbf: {  	_ =	sfence.sel $0xFFFF  }
0xc0: {  	[dreg:$0x0] =	wrdreg $0xFFFFFFFF;
	(pc) =	sbr.abs _section_cstart, $3  }
0xc1: {  	[dreg:$0x1] =	wrdreg $0xFFFFFFFF  }
0xc2: {  	_ =	task.clear_ibuf [dreg:s7], $0x2FFFF;
	_ =	strace $0x9FFFFFFF  }
0xc3: {  	(tm) =	ssettm $0x7FFFFFFF  }
tec
execute0_lowered:
.L_overlay_start_1:
0x0: {  	(tag) =	ssettag $0x1  }
0x1: {  	s0 =	rddreg [dreg:$0x0]  }
0x2: {  	s3 =	rddreg [dreg:$0x2]  }
0x3: {  	s4 =	simm.s32 $0x0;
	s1 =	srdreg.scid;
	s10 =	stileid.u32  }
0x4: {  	s12 =	simm.s32 $0xB;
	s15 =	simm.s32 $0x1;
	s16 =	simm.s32 $0x7D  }
0x5: {  	s17 =	simm.s32 $0xA000;
	s19 =	simm.s32 $0xBF40;
	s21 =	simm.s32 $0xDE80  }
0x6: {  	s23 =	simm.s32 $0xFDC0;
	s28 =	simm.s32 $0x3;
	s29 =	simm.s32 $0x4  }
0x7: {  	s30 =	simm.s32 $0x5;
	s31 =	simm.s32 $0x6;
	s2 =	smul.u32 $0x13880, s10  }
0x8: {  	s14 =	simm.s32 $0xA;
	s22 =	simm.s32 $0x0;
	s13 =	smul.u32 $0xA00, s10  }
0x9: {  	[smem:$0x7FF] =	sst s4;
	s1 =	sand.u32 $0x1, s1;
	s25 =	smul.u32 $0x27100, s10  }
0xa: {  	_ =	strace $0x8000004A;
	s5 =	sshll.u32 s1, $0x6;
	s6 =	sshll.u32 s1, $0x3  }
0xb: {  	s1 =	ssub.s32 $0x2, s1;
	s2 =	sor.u32 s5, s2;
	s8 =	sadd.s32 s6, s0  }
0xc: {  	s7 =	sadd.s32 s13, s0;
	s26 =	sshrl.u32 s1, $0x1;
	s9 =	sshrl.u32 s25, $0x2  }
0xd: {  	s5 =	sshll.u32 s10, $0x6;
	s25 =	simm.s32 $0x11D00;
	s2 =	sshrl.u32 s2, $0x3  }
0xe: {  	s1 =	ssub.s32 s1, s26;
	s11 =	sadd.s32 s9, s3;
	s6 =	sor.u32 $0x1C01, s5  }
0xf: {  	s7 =	sadd.s32 $0x3A00, s7;
	s8 =	sadd.s32 $0x17A00, s8;
	s26 =	simm.s32 $0x2  }
0x10: {  	s2 =	sadd.s32 s2, s0;
	s0 =	sadd.s32 $0xDA00, s0;
	s10 =	smax.u32 s1, $0x1  }
0x11: {  	s11 =	sshrl.u32 s11, $0x3;
	s1 =	simm.s32 $0x9;
	s9 =	sadd.s32 $0x3EC00, s2  }
0x12: {  	s13 =	sadd.s32 s13, s0;
	s0 =	simm.s32 $0x7;
	s2 =	simm.s32 $0x8  }
.LBB2_1:
0x13: {  	s18 =	rddreg [dreg:$0x1]  }
0x14: {  	[spmem:s11], [sflag:s6] =	dma.local [hbm:s18], $0x1388  }
0x15: {  	[tilespmem:s4], [sflag:$0xB] =	stream.linear.gather [hbm4b:s7+s4], $0x5000, $0x38;
	[tilespmem:$0x1D880] =	vst v63  }
0x16: {  	_ =	swait.ge [sflag:s12], $0x5000  }
0x17: {  	[sflag:s12] =	ssyncset.done $0x0  }
0x18: {  	s20 =	simm.s32 $0x5000;
	[sflag:s12] =	ssyncadd.s32 $0xFFFFB000  }
0x19: {  	[tilespmem:s20], [sflag:$0xB] =	stream.linear.gather [hbm4b:s13+s4], $0x5000, $0x38;
	[tilespmem:$0x1D880] =	vst v63  }
0x1a: {  	_ =	swait.ge [sflag:s12], $0x5000  }
0x1b: {  	[sflag:s12] =	ssyncset.done $0x0  }
0x1c: {  	[sflag:s12] =	ssyncadd.s32 $0xFFFFB000  }
0x1d: {  	_ =	swait.ge [sflag:s15], $0x1388  }
0x1e: {  	[sflag:s15] =	ssyncset.done $0x0  }
0x1f: {  	[sflag:s15] =	ssyncadd.s32 $0xFFFFEC78  }
0x20: {  	[bflag:$0x0] =	sbarrier.arrive $0xFFFF  }
0x21: {  	[tilespmem:s17], [sflag:$0x1] =	stream.indirect.gather [hbm4b:s8+s16], $0x40, s4, s16, $0xb8;
	[tilespmem:$0x1D880] =	vst v63  }
0x22: {  	s24 =	simm.s32 $0x80  }
0x23: {  	[tilespmem:s19], [sflag:$0x2] =	stream.indirect.gather [hbm4b:s8+s16], $0x40, s24, s16, $0xb8;
	[tilespmem:$0x1D880] =	vst v63  }
0x24: {  	s20 =	simm.s32 $0x100  }
0x25: {  	[tilespmem:s21], [sflag:$0x3] =	stream.indirect.gather [hbm4b:s8+s16], $0x40, s20, s16, $0xb8;
	[tilespmem:$0x1D880] =	vst v63  }
0x26: {  	s24 =	simm.s32 $0x180  }
0x27: {  	[tilespmem:s23], [sflag:$0x4] =	stream.indirect.gather [hbm4b:s8+s16], $0x40, s24, s16, $0xb8;
	[tilespmem:$0x1D880] =	vst v63  }
0x28: {  	s20 =	simm.s32 $0x200  }
0x29: {  	[tilespmem:s25], [sflag:$0x5] =	stream.indirect.gather [hbm4b:s8+s16], $0x40, s20, s16, $0xb8;
	[tilespmem:$0x1D880] =	vst v63  }
0x2a: {  	_ =	swait.ge [sflag:s15], $0x1F40  }
0x2b: {  	[sflag:s15] =	ssyncset.done $0x0  }
0x2c: {  	s24 =	simm.s32 $0x5000;
	[sflag:s15] =	ssyncadd.s32 $0xFFFFE0C0  }
0x2d: {  	[spmem:s3] =	stream.indirect.scatter.add.f32 [tilespmem:s17], [sflag:$0x6], $0x40, s24, s16, $0xb8;
	[tilespmem:$0x1D880] =	vst v63  }
0x2e: {  	_ =	swait.ge [sflag:s26], $0x1F40  }
0x2f: {  	[sflag:s26] =	ssyncset.done $0x0  }
0x30: {  	s20 =	simm.s32 $0x5080;
	[sflag:s26] =	ssyncadd.s32 $0xFFFFE0C0  }
0x31: {  	[spmem:s3] =	stream.indirect.scatter.add.f32 [tilespmem:s19], [sflag:$0x7], $0x40, s20, s16, $0xb8;
	[tilespmem:$0x1D880] =	vst v63  }
0x32: {  	_ =	swait.ge [sflag:s28], $0x1F40  }
0x33: {  	[sflag:s28] =	ssyncset.done $0x0  }
0x34: {  	s24 =	simm.s32 $0x5100;
	[sflag:s28] =	ssyncadd.s32 $0xFFFFE0C0  }
0x35: {  	[spmem:s3] =	stream.indirect.scatter.add.f32 [tilespmem:s21], [sflag:$0x8], $0x40, s24, s16, $0xb8;
	[tilespmem:$0x1D880] =	vst v63  }
0x36: {  	_ =	swait.ge [sflag:s29], $0x1F40  }
0x37: {  	[sflag:s29] =	ssyncset.done $0x0  }
0x38: {  	s20 =	simm.s32 $0x5180;
	[sflag:s29] =	ssyncadd.s32 $0xFFFFE0C0  }
0x39: {  	[spmem:s3] =	stream.indirect.scatter.add.f32 [tilespmem:s23], [sflag:$0x9], $0x40, s20, s16, $0xb8;
	[tilespmem:$0x1D880] =	vst v63  }
0x3a: {  	_ =	swait.ge [sflag:s30], $0x1F40  }
0x3b: {  	[sflag:s30] =	ssyncset.done $0x0  }
0x3c: {  	s24 =	simm.s32 $0x5200;
	[sflag:s30] =	ssyncadd.s32 $0xFFFFE0C0  }
0x3d: {  	[spmem:s3] =	stream.indirect.scatter.add.f32 [tilespmem:s25], [sflag:$0xA], $0x40, s24, s16, $0xb8;
	[tilespmem:$0x1D880] =	vst v63  }
0x3e: {  	_ =	swait.ge [sflag:s31], $0x1F40  }
0x3f: {  	[sflag:s31] =	ssyncset.done $0x0  }
0x40: {  	s20 =	simm.s32 $0x280;
	[sflag:s31] =	ssyncadd.s32 $0xFFFFE0C0  }
0x41: {  	[tilespmem:s17], [sflag:$0x1] =	stream.indirect.gather [hbm4b:s8+s16], $0x40, s20, s16, $0xb8;
	[tilespmem:$0x1D880] =	vst v63  }
0x42: {  	_ =	swait.ge [sflag:s0], $0x1F40  }
0x43: {  	[sflag:s0] =	ssyncset.done $0x0  }
0x44: {  	s24 =	simm.s32 $0x300;
	[sflag:s0] =	ssyncadd.s32 $0xFFFFE0C0  }
0x45: {  	[tilespmem:s19], [sflag:$0x2] =	stream.indirect.gather [hbm4b:s8+s16], $0x40, s24, s16, $0xb8;
	[tilespmem:$0x1D880] =	vst v63  }
0x46: {  	_ =	swait.ge [sflag:s2], $0x1F40  }
0x47: {  	[sflag:s2] =	ssyncset.done $0x0  }
0x48: {  	s20 =	simm.s32 $0x380;
	[sflag:s2] =	ssyncadd.s32 $0xFFFFE0C0  }
0x49: {  	[tilespmem:s21], [sflag:$0x3] =	stream.indirect.gather [hbm4b:s8+s16], $0x40, s20, s16, $0xb8;
	[tilespmem:$0x1D880] =	vst v63  }
0x4a: {  	_ =	swait.ge [sflag:s1], $0x1F40  }
0x4b: {  	[sflag:s1] =	ssyncset.done $0x0  }
0x4c: {  	s24 =	simm.s32 $0x400;
	[sflag:s1] =	ssyncadd.s32 $0xFFFFE0C0  }
0x4d: {  	[tilespmem:s23], [sflag:$0x4] =	stream.indirect.gather [hbm4b:s8+s16], $0x40, s24, s16, $0xb8;
	[tilespmem:$0x1D880] =	vst v63  }
0x4e: {  	_ =	swait.ge [sflag:s14], $0x1F40  }
0x4f: {  	[sflag:s14] =	ssyncset.done $0x0  }
0x50: {  	s18 =	simm.s32 $0x480;
	s24 =	simm.s32 $0xA00;
	[sflag:s14] =	ssyncadd.s32 $0xFFFFE0C0  }
.LBB2_2:
0x51: {  	[tilespmem:s25], [sflag:$0x5] =	stream.indirect.gather [hbm4b:s8+s16], $0x40, s18, s16, $0xb8;
	[tilespmem:$0x1D880] =	vst v63  }
0x52: {  	s18 =	smov.u32 s24  }
0x53: {  	p0 =	sne.s32 s24, $0x12C00;
	s24 =	sadd.s32 $0xA00, s24;
	_ =	swait.ge [sflag:s15], $0x1F40  }
0x54: {  	s18 =	sshra.s32 s18, $0x2;
	[sflag:s15] =	ssyncset.done $0x0  }
0x55: {  	s20 =	sadd.s32 $0x5000, s18;
	[sflag:s15] =	ssyncadd.s32 $0xFFFFE0C0  }
0x56: {  	[spmem:s3] =	stream.indirect.scatter.add.f32 [tilespmem:s17], [sflag:$0x6], $0x40, s20, s16, $0xb8;
	[tilespmem:$0x1D880] =	vst v63  }
0x57: {  	_ =	swait.ge [sflag:s26], $0x1F40  }
0x58: {  	[sflag:s26] =	ssyncset.done $0x0  }
0x59: {  	s20 =	sadd.s32 $0x5080, s18;
	[sflag:s26] =	ssyncadd.s32 $0xFFFFE0C0  }
0x5a: {  	[spmem:s3] =	stream.indirect.scatter.add.f32 [tilespmem:s19], [sflag:$0x7], $0x40, s20, s16, $0xb8;
	[tilespmem:$0x1D880] =	vst v63  }
0x5b: {  	_ =	swait.ge [sflag:s28], $0x1F40  }
0x5c: {  	[sflag:s28] =	ssyncset.done $0x0  }
0x5d: {  	s20 =	sadd.s32 $0x5100, s18;
	[sflag:s28] =	ssyncadd.s32 $0xFFFFE0C0  }
0x5e: {  	[spmem:s3] =	stream.indirect.scatter.add.f32 [tilespmem:s21], [sflag:$0x8], $0x40, s20, s16, $0xb8;
	[tilespmem:$0x1D880] =	vst v63  }
0x5f: {  	_ =	swait.ge [sflag:s29], $0x1F40  }
0x60: {  	[sflag:s29] =	ssyncset.done $0x0  }
0x61: {  	s20 =	sadd.s32 $0x5180, s18;
	[sflag:s29] =	ssyncadd.s32 $0xFFFFE0C0  }
0x62: {  	[spmem:s3] =	stream.indirect.scatter.add.f32 [tilespmem:s23], [sflag:$0x9], $0x40, s20, s16, $0xb8;
	[tilespmem:$0x1D880] =	vst v63  }
0x63: {  	_ =	swait.ge [sflag:s30], $0x1F40  }
0x64: {  	[sflag:s30] =	ssyncset.done $0x0  }
0x65: {  	s20 =	sadd.s32 $0x5200, s18;
	[sflag:s30] =	ssyncadd.s32 $0xFFFFE0C0  }
0x66: {  	[spmem:s3] =	stream.indirect.scatter.add.f32 [tilespmem:s25], [sflag:$0xA], $0x40, s20, s16, $0xb8;
	[tilespmem:$0x1D880] =	vst v63  }
0x67: {  	_ =	swait.ge [sflag:s31], $0x1F40  }
0x68: {  	[sflag:s31] =	ssyncset.done $0x0  }
0x69: {  	s20 =	sadd.s32 $0x280, s18;
	[sflag:s31] =	ssyncadd.s32 $0xFFFFE0C0  }
0x6a: {  	[tilespmem:s17], [sflag:$0x1] =	stream.indirect.gather [hbm4b:s8+s16], $0x40, s20, s16, $0xb8;
	[tilespmem:$0x1D880] =	vst v63  }
0x6b: {  	_ =	swait.ge [sflag:s0], $0x1F40  }
0x6c: {  	[sflag:s0] =	ssyncset.done $0x0  }
0x6d: {  	s20 =	sadd.s32 $0x300, s18;
	[sflag:s0] =	ssyncadd.s32 $0xFFFFE0C0  }
0x6e: {  	[tilespmem:s19], [sflag:$0x2] =	stream.indirect.gather [hbm4b:s8+s16], $0x40, s20, s16, $0xb8;
	[tilespmem:$0x1D880] =	vst v63  }
0x6f: {  	_ =	swait.ge [sflag:s2], $0x1F40  }
0x70: {  	[sflag:s2] =	ssyncset.done $0x0  }
0x71: {  	s20 =	sadd.s32 $0x380, s18;
	[sflag:s2] =	ssyncadd.s32 $0xFFFFE0C0  }
0x72: {  	[tilespmem:s21], [sflag:$0x3] =	stream.indirect.gather [hbm4b:s8+s16], $0x40, s20, s16, $0xb8;
	[tilespmem:$0x1D880] =	vst v63  }
0x73: {  	_ =	swait.ge [sflag:s1], $0x1F40  }
0x74: {  	[sflag:s1] =	ssyncset.done $0x0  }
.Ltmp0:
0x75: {  	s20 =	sadd.s32 $0x400, s18;
	[sflag:s1] =	ssyncadd.s32 $0xFFFFE0C0;
	(pc) =	sbr.rel @p0 .LBB2_2-.Ltmp0, $4  }
0x76: {  	[tilespmem:s23], [sflag:$0x4] =	stream.indirect.gather [hbm4b:s8+s16], $0x40, s20, s16, $0xb8;
	[tilespmem:$0x1D880] =	vst v63  }
0x77: {  	_ =	swait.ge [sflag:s14], $0x1F40  }
0x78: {  	[sflag:s14] =	ssyncset.done $0x0  }
0x79: {  	s18 =	sadd.s32 $0x480, s18;
	[sflag:s14] =	ssyncadd.s32 $0xFFFFE0C0  }
0x7a: {  	[tilespmem:s25], [sflag:$0x5] =	stream.indirect.gather [hbm4b:s8+s16], $0x40, s18, s16, $0xb8;
	[tilespmem:$0x1D880] =	vst v63  }
0x7b: {  	_ =	swait.ge [sflag:s15], $0x1F40  }
0x7c: {  	[sflag:s15] =	ssyncset.done $0x0  }
0x7d: {  	s20 =	simm.s32 $0x9D80;
	[sflag:s15] =	ssyncadd.s32 $0xFFFFE0C0  }
0x7e: {  	[spmem:s3] =	stream.indirect.scatter.add.f32 [tilespmem:s17], [sflag:$0x6], $0x40, s20, s16, $0xb8;
	[tilespmem:$0x1D880] =	vst v63  }
0x7f: {  	_ =	swait.ge [sflag:s26], $0x1F40  }
0x80: {  	[sflag:s26] =	ssyncset.done $0x0  }
0x81: {  	s24 =	simm.s32 $0x9E00;
	[sflag:s26] =	ssyncadd.s32 $0xFFFFE0C0  }
0x82: {  	[spmem:s3] =	stream.indirect.scatter.add.f32 [tilespmem:s19], [sflag:$0x7], $0x40, s24, s16, $0xb8;
	[tilespmem:$0x1D880] =	vst v63  }
0x83: {  	_ =	swait.ge [sflag:s28], $0x1F40  }
0x84: {  	[sflag:s28] =	ssyncset.done $0x0  }
0x85: {  	s20 =	simm.s32 $0x9E80;
	[sflag:s28] =	ssyncadd.s32 $0xFFFFE0C0  }
0x86: {  	[spmem:s3] =	stream.indirect.scatter.add.f32 [tilespmem:s21], [sflag:$0x8], $0x40, s20, s16, $0xb8;
	[tilespmem:$0x1D880] =	vst v63  }
0x87: {  	_ =	swait.ge [sflag:s29], $0x1F40  }
0x88: {  	[sflag:s29] =	ssyncset.done $0x0  }
0x89: {  	s24 =	simm.s32 $0x9F00;
	[sflag:s29] =	ssyncadd.s32 $0xFFFFE0C0  }
0x8a: {  	[spmem:s3] =	stream.indirect.scatter.add.f32 [tilespmem:s23], [sflag:$0x9], $0x40, s24, s16, $0xb8;
	[tilespmem:$0x1D880] =	vst v63  }
0x8b: {  	_ =	swait.ge [sflag:s30], $0x1F40  }
0x8c: {  	[sflag:s30] =	ssyncset.done $0x0  }
0x8d: {  	s20 =	simm.s32 $0x9F80;
	[sflag:s30] =	ssyncadd.s32 $0xFFFFE0C0  }
0x8e: {  	[spmem:s3] =	stream.indirect.scatter.add.f32 [tilespmem:s25], [sflag:$0xA], $0x40, s20, s16, $0xb8;
	[tilespmem:$0x1D880] =	vst v63  }
0x8f: {  	_ =	swait.ge [sflag:s31], $0x1F40  }
0x90: {  	[sflag:s31] =	ssyncset.done $0x0  }
0x91: {  	[sflag:s31] =	ssyncadd.s32 $0xFFFFE0C0  }
0x92: {  	_ =	swait.ge [sflag:s0], $0x1F40  }
0x93: {  	[sflag:s0] =	ssyncset.done $0x0  }
0x94: {  	[sflag:s0] =	ssyncadd.s32 $0xFFFFE0C0  }
0x95: {  	_ =	swait.ge [sflag:s2], $0x1F40  }
0x96: {  	[sflag:s2] =	ssyncset.done $0x0  }
0x97: {  	[sflag:s2] =	ssyncadd.s32 $0xFFFFE0C0  }
0x98: {  	_ =	swait.ge [sflag:s1], $0x1F40  }
0x99: {  	[sflag:s1] =	ssyncset.done $0x0  }
0x9a: {  	[sflag:s1] =	ssyncadd.s32 $0xFFFFE0C0  }
0x9b: {  	_ =	swait.ge [sflag:s14], $0x1F40  }
0x9c: {  	[sflag:s14] =	ssyncset.done $0x0  }
0x9d: {  	s22 =	sadd.s32 $0x1, s22;
	[sflag:s14] =	ssyncadd.s32 $0xFFFFE0C0  }
0x9e: {  	p0 =	sne.s32 s22, s10;
	s24 =	sor.u32 $0x1C0B, s5;
	[bflag:$0x0] =	sbarrier.arrive $0xFFFF  }
.Ltmp1:
0x9f: {  	s20 =	simm.s32 $0x10;
	[bflag:$0x0] =	sbarrier.arrive $0xFFFF;
	(pc) =	sbr.rel @p0 .LBB2_1-.Ltmp1, $4  }
0xa0: {  	[hbm:s9@s20], [sflag:s24] =	dma.strided [spmem:s11@s2], $0x1388, s15, $0x8   }
0xa1: {  	_ =	swait.ge [sflag:s12], $0x1388  }
0xa2: {  	[sflag:s12] =	ssyncset.done $0x0  }
0xa3: {  	[sflag:s12] =	ssyncadd.s32 $0xFFFFEC78  }
0xa4: {  	_ =	sfence.sel $0x180000  }
0xa5: {  	[bflag:$0x0] =	sbarrier.arrive $0xFFFF  }
0xa6: {  	_ =	strace $0x9000004A  }
0xa7: {  	s0 =	stileid.u32;
	[bflag:$0x2] =	sbarrier.arrive $0xFFFF  }
0xa8: {  	p0 =	sne.s32 s0, $0x0;
	s0 =	rddreg [dreg:$0x3]  }
0xa9: {  	s0 =	sadd.s32 @!p0 $0x100000, s0  }
0xaa: {  	[sflag:s0] =	ssyncadd.tile.s32 @!p0 $0x1;
	_ =	shalt  }
.Lfunc_end2:
_tile_overlayer_lowered:
.L_overlay_start_2:
0xab: {  	(tag) =	ssettag $0x2  }
0xac: {  	s0 =	rddreg [dreg:$0x0];
	s2 =	stileid.u32  }
0xad: {  	s1 =	rddreg [dreg:$0x1];
	p0 =	sne.s32 s2, $0x0  }
0xae: {  	s3 =	rddreg [dreg:$0x2];
	[bflag:$0x3] =	sbarrier.arrive $0xFFFF;
	s2 =	simm.s32 @!p0 $0x1C0B  }
0xaf: {  	[timem:s3], [sflag:s2] =	dma.local @!p0 [hbm:s0], s1  }
0xb0: {  	s0 =	simm.s32 @!p0 $0xB  }
0xb1: {  	_ =	swait.ge @!p0 [sflag:s0], s1  }
0xb2: {  	s1 =	ssub.s32 @!p0 $0x0, s1;
	[sflag:s0] =	ssyncset.done @!p0 $0x0  }
0xb3: {  	[sflag:s0] =	ssyncadd.s32 @!p0 s1  }
0xb4: {  	[bflag:$0x3] =	sbarrier.arrive $0xFFFF  }
0xb5: {  	_ =	shalt  }

</sc_bundles>
